<compile_context>
chip_gen: v7x
topology: tpu7x:2x2x1
jax: 0.10.2.dev20260603
libtpu: 0.0.44.dev20260713+nightly
codegen_flags: <defaults>
</compile_context>

<pallas_src>
import functools

import jax
import jax.numpy as jnp
from jax import lax
from jax.experimental import pallas as pl
from jax.experimental.pallas import tpu as pltpu
from jax.experimental.pallas import tpu_sc as plsc

N_NODES = 10000
N_EDGES = 320000
C = 128

NC = 2
NS = 16
NW = NC * NS

W = 64
NCHUNK = N_EDGES // W
CPW = NCHUNK // NW
CPW_EXTRA = NCHUNK - CPW * NW
N_PAD = 10240
NODE_CHUNK = N_PAD // NS


def _sc_aggregate(x, e3):
  @functools.partial(
      pl.kernel,
      mesh=plsc.VectorSubcoreMesh(core_axis_name="c", subcore_axis_name="s"),
      compiler_params=pltpu.CompilerParams(use_tc_tiling_on_sc=False),
      out_type=[
          jax.ShapeDtypeStruct((NC, N_PAD, C), jnp.float32),
          jax.ShapeDtypeStruct((NC, N_PAD, 16), jnp.float32),
      ],
      scratch_types=[
          pltpu.VMEM(((CPW + 1) * W,), jnp.int32),
          pltpu.VMEM(((CPW + 1) * W,), jnp.int32),
          pltpu.VMEM((2, W, C), jnp.float32),
          pltpu.VMEM((W, 16), jnp.float32),
          pltpu.VMEM_SHARED((N_PAD, C), jnp.float32),
          pltpu.VMEM_SHARED((N_PAD, 16), jnp.float32),
          pltpu.SemaphoreType.DMA((2,)),
          pltpu.SemaphoreType.DMA,
      ],
  )
  def k(x_hbm, e3_hbm, acc_out, cnt_out, sidx, didx, rows2, ones_v,
        acc_sh, cnt_sh, sem2, csem):
    c = lax.axis_index("c")
    s = lax.axis_index("s")
    w = s * NC + c

    def fill_zero(i, _):
      def fill_lane(j, _):
        rows2[0, i, pl.ds(j * 16, 16)] = jnp.zeros((16,), jnp.float32)
        return 0
      lax.fori_loop(0, C // 16, fill_lane, 0)
      ones_v[i] = jnp.zeros((16,), jnp.float32)
      return 0
    lax.fori_loop(0, W, fill_zero, 0)

    nb = pl.multiple_of(s * NODE_CHUNK, 8)

    def zero_chunk(j, _):
      off = pl.multiple_of(nb + j * W, 8)
      pltpu.async_copy(rows2.at[0], acc_sh.at[pl.ds(off, W)], csem)
      pltpu.async_copy(ones_v, cnt_sh.at[pl.ds(off, W)], csem)
      return 0
    lax.fori_loop(0, NODE_CHUNK // W, zero_chunk, 0)

    nchunks = CPW + jnp.where(w < CPW_EXTRA, 1, 0)
    base = (CPW * w + jnp.minimum(w, CPW_EXTRA)) * W
    pltpu.sync_copy(e3_hbm.at[pl.ds(base, CPW * W)],
                    sidx.at[pl.ds(0, CPW * W)])
    pltpu.sync_copy(e3_hbm.at[pl.ds(N_EDGES + base, CPW * W)],
                    didx.at[pl.ds(0, CPW * W)])

    @pl.when(w < CPW_EXTRA)
    def _():
      pltpu.sync_copy(e3_hbm.at[pl.ds(base + CPW * W, W)],
                      sidx.at[pl.ds(CPW * W, W)])
      pltpu.sync_copy(e3_hbm.at[pl.ds(N_EDGES + base + CPW * W, W)],
                      didx.at[pl.ds(CPW * W, W)])

    def zdrain(j, _):
      pltpu.make_async_copy(x_hbm.at[pl.ds(0, W)], rows2.at[0], csem).wait()
      pltpu.make_async_copy(
          x_hbm.at[pl.ds(0, W), pl.ds(0, 16)], ones_v, csem).wait()
      return 0
    lax.fori_loop(0, NODE_CHUNK // W, zdrain, 0)

    def fill_one(i, _):
      ones_v[i] = jnp.ones((16,), jnp.float32)
      return 0
    lax.fori_loop(0, W, fill_one, 0)

    plsc.subcore_barrier()

    def step(i, carry):
      b = jnp.bitwise_and(i, 1)

      @pl.when(i < nchunks)
      def _():
        pltpu.async_copy(x_hbm.at[sidx.at[pl.ds(i * W, W)]],
                         rows2.at[b], sem2.at[b])

      @pl.when(i > 0)
      def _():
        pb = jnp.bitwise_and(i - 1, 1)
        dix = didx.at[pl.ds((i - 1) * W, W)]
        pltpu.make_async_copy(
            x_hbm.at[pl.ds(0, W)], rows2.at[pb], sem2.at[pb]).wait()
        pltpu.sync_copy(rows2.at[pb], acc_sh.at[dix], add=True)
        pltpu.async_copy(ones_v, cnt_sh.at[dix], csem, add=True)
      return carry

    lax.fori_loop(0, nchunks + 1, step, 0)

    def drain(i, carry):
      pltpu.make_async_copy(
          x_hbm.at[pl.ds(0, W), pl.ds(0, 16)], ones_v, csem).wait()
      return carry

    lax.fori_loop(0, nchunks, drain, 0)

    plsc.subcore_barrier()

    pltpu.sync_copy(acc_sh.at[pl.ds(nb, NODE_CHUNK)],
                    acc_out.at[c, pl.ds(nb, NODE_CHUNK)])
    pltpu.sync_copy(cnt_sh.at[pl.ds(nb, NODE_CHUNK)],
                    cnt_out.at[c, pl.ds(nb, NODE_CHUNK)])

  return k(x, e3)


def _tc_self_body(x, wr, b, y):
  y[...] = (jnp.dot(x[...], wr[...], preferred_element_type=jnp.float32)
            + b[...])


def _tc_self(x, wrT, b):
  R = 2000
  return pl.pallas_call(
      _tc_self_body,
      grid=(N_NODES // R,),
      in_specs=[
          pl.BlockSpec((R, C), lambda i: (i, 0)),
          pl.BlockSpec((C, C), lambda i: (0, 0)),
          pl.BlockSpec((1, C), lambda i: (0, 0)),
      ],
      out_specs=pl.BlockSpec((R, C), lambda i: (i, 0)),
      out_shape=jax.ShapeDtypeStruct((N_NODES, C), jnp.float32),
  )(x, wrT, b)


def _tc_body(pacc, pcnt, y, wl, out):
  acc = pacc[0] + pacc[1]
  cnt = pcnt[0] + pcnt[1]
  R = acc.shape[0]
  f32 = jnp.float32
  ri = lax.broadcasted_iota(jnp.int32, (R, R // 8), 0) // 8
  ci = lax.broadcasted_iota(jnp.int32, (R, R // 8), 1)
  P = jnp.where(ri == ci, 1.0, 0.0).astype(f32)
  rep = jnp.dot(P, cnt, preferred_element_type=f32)
  li = lax.broadcasted_iota(jnp.int32, (R, C), 1) // 16
  ni = lax.broadcasted_iota(jnp.int32, (R, C), 0) % 8
  masked = jnp.where(li == ni, rep, 0.0)
  spread = jnp.full((C, C), 1.0 / 16.0, dtype=f32)
  d = jnp.dot(masked, spread, preferred_element_type=f32)
  mean = acc / jnp.maximum(d, 1.0)
  out[...] = jnp.maximum(
      jnp.dot(mean, wl[...], preferred_element_type=jnp.float32) + y[...], 0.0)


def _tc_finish(pacc, pcnt, y, wlT):
  R = 2048
  grid = (N_PAD // R,)
  return pl.pallas_call(
      _tc_body,
      grid=grid,
      in_specs=[
          pl.BlockSpec((NC, R, C), lambda i: (0, i, 0)),
          pl.BlockSpec((NC, R * 16 // C, C), lambda i: (0, i, 0)),
          pl.BlockSpec((R, C), lambda i: (i, 0)),
          pl.BlockSpec((C, C), lambda i: (0, 0)),
      ],
      out_specs=pl.BlockSpec((R, C), lambda i: (i, 0)),
      out_shape=jax.ShapeDtypeStruct((N_NODES, C), jnp.float32),
  )(pacc, pcnt, y, wlT)


def kernel(x, edge_index, W_l, b_l, W_r):
  pacc, pcnt = _sc_aggregate(x, edge_index.reshape(2 * N_EDGES))
  pcnt128 = pcnt.reshape(NC, N_PAD * 16 // C, C)
  y = _tc_self(x, W_r.T, b_l.reshape(1, C))
  return _tc_finish(pacc, pcnt128, y, W_l.T)

# --- scband reference (transcript-rebuilt; emitter-appended) ---
"""Pipeline reference for scband-sageblock-45200235823723 (READ-ONLY COPY).

The authoritative reference and input builder live on the scoring server;
editing this copy changes nothing except your own understanding.
"""

import jax, jax.numpy as jnp
import numpy as np

N_NODES = 10000
N_EDGES = 320000
C_IN = 128
C_OUT = 128


def setup_inputs(seed: int = 0) -> dict:
    key = jax.random.key(seed)
    k1, k2, k3, k4 = jax.random.split(key, 4)
    x = jax.random.normal(k1, (N_NODES, C_IN), dtype=jnp.float32)
    edge_index = jax.random.randint(k2, (2, N_EDGES), 0, N_NODES, dtype=jnp.int32)
    # SAGEConv params: lin_l (applied to aggregated neighbors, has bias),
    # lin_r (applied to root/self features, no bias) per PyG defaults.
    W_l = jax.random.normal(k3, (C_OUT, C_IN), dtype=jnp.float32) * 0.05
    b_l = jnp.zeros((C_OUT,), dtype=jnp.float32)
    W_r = jax.random.normal(k4, (C_OUT, C_IN), dtype=jnp.float32) * 0.05
    return {"x": x, "edge_index": edge_index, "W_l": W_l, "b_l": b_l, "W_r": W_r}


def reference(x, edge_index, W_l, b_l, W_r):
    src = edge_index[0]
    dst = edge_index[1]
    n = x.shape[0]
    # message = x_j gathered from source nodes
    msg = jnp.take(x, src, axis=0)
    # mean aggregation at destination nodes
    agg_sum = jax.ops.segment_sum(msg, dst, num_segments=n)
    cnt = jax.ops.segment_sum(jnp.ones((dst.shape[0],), dtype=x.dtype), dst, num_segments=n)
    agg_mean = agg_sum / jnp.clip(cnt, 1.0)[:, None]
    # SAGEConv: lin_l(aggregated) + lin_r(x)
    out = agg_mean @ W_l.T + b_l + x @ W_r.T
    # SAGEBlock: relu then dropout(p=0.0) -> identity
    out = jax.nn.relu(out)
    return out

if __name__ == "__main__":
    import jax
    _d = setup_inputs()
    print(jax.jit(kernel)(*tuple(_d.values())))

</pallas_src>

<mosaic_0001>
#map = affine_map<(d0, d1) -> (0, 0)>
#map1 = affine_map<(d0, d1) -> (0)>
#map2 = affine_map<(d0, d1) -> (0, 0, 0)>
module attributes {stable_mosaic.version = 14 : i64} {
  func.func @k(%arg0: i32, %arg1: i32, %arg2: memref<10000x128xf32, #tpu.memory_space<hbm>>, %arg3: memref<640000xi32, #tpu.memory_space<hbm>>, %arg4: memref<2x10240x128xf32, #tpu.memory_space<hbm>>, %arg5: memref<2x10240x16xf32, #tpu.memory_space<hbm>>, %arg6: memref<10048xi32, #tpu.memory_space<vmem>>, %arg7: memref<10048xi32, #tpu.memory_space<vmem>>, %arg8: memref<2x64x128xf32, #tpu.memory_space<vmem>>, %arg9: memref<64x16xf32, #tpu.memory_space<vmem>>, %arg10: memref<10240x128xf32, #tpu.memory_space<vmem_shared>>, %arg11: memref<10240x16xf32, #tpu.memory_space<vmem_shared>>, %arg12: memref<2x!tpu.dma_semaphore, #tpu.memory_space<semaphore_mem>>, %arg13: memref<!tpu.dma_semaphore, #tpu.memory_space<semaphore_mem>>) attributes {dimension_semantics = [#tpu.dimension_semantics<core_parallel>, #tpu.dimension_semantics<subcore_parallel>], iteration_bounds = array<i64: 2, 16>, scalar_prefetch = 0 : i64, scratch_operands = 8 : i64, tpu.core_type = #tpu.core_type<sc_vector_subcore>, window_params = [{transform_indices = #map}, {transform_indices = #map1}, {transform_indices = #map2}, {transform_indices = #map2}]} {
    %mul3A = arith.constant 2 : i32
    %mul3A_0 = arith.muli %arg1, %mul3A : i32
    %add3A = arith.addi %mul3A_0, %arg0 : i32
    %scan3A = arith.constant 0 : i32
    %scan3A_1 = arith.constant 0 : i32
    %scan3A_2 = arith.constant 64 : i32
    %scan3A_3 = arith.addi %scan3A_1, %scan3A_2 : i32
    %scan3A_4 = arith.constant 1 : i32
    %scan3A_5 = scf.for %scan3A_67 = %scan3A_1 to %scan3A_3 step %scan3A_4 iter_args(%scan3A_68 = %scan3A) -> (i32)  : i32 {
      %scan3A_69 = arith.constant 0 : i32
      %scan3A_70 = arith.constant 0 : i32
      %scan3A_71 = arith.constant 8 : i32
      %scan3A_72 = arith.addi %scan3A_70, %scan3A_71 : i32
      %scan3A_73 = arith.constant 1 : i32
      %scan3A_74 = scf.for %scan3A_82 = %scan3A_70 to %scan3A_72 step %scan3A_73 iter_args(%scan3A_83 = %scan3A_69) -> (i32)  : i32 {
        %broadcast_in_dim3A_84 = arith.constant 0.000000e+00 : f32
        %broadcast_in_dim3A_85 = vector.broadcast %broadcast_in_dim3A_84 : f32 to vector<16xf32>
        %mul3A_86 = arith.constant 16 : i32
        %mul3A_87 = arith.muli %scan3A_82, %mul3A_86 : i32
        %swap3A_88 = arith.constant 0 : i32
        %swap3A_89 = arith.index_cast %swap3A_88 : i32 to index
        %swap3A_90 = arith.index_cast %scan3A_67 : i32 to index
        %swap3A_91 = arith.index_cast %mul3A_87 : i32 to index
        %swap3A_92 = tpu.vector_load %arg8[%swap3A_89, %swap3A_90, %swap3A_91] {strides = array<i32>} : memref<2x64x128xf32, #tpu.memory_space<vmem>>, vector<1x1x16xf32>,
        %swap3A_93 = vector.shape_cast %swap3A_92 : vector<1x1x16xf32> to vector<16xf32>
        %swap3A_94 = vector.shape_cast %broadcast_in_dim3A_85 : vector<16xf32> to vector<1x1x16xf32>
        tpu.vector_store %arg8[%swap3A_89, %swap3A_90, %swap3A_91], %swap3A_94 {strides = array<i32>} : memref<2x64x128xf32, #tpu.memory_space<vmem>>, vector<1x1x16xf32>,
        %scan3A_95 = arith.constant 0 : i32
        scf.yield %scan3A_95 : i32
      }
      %scan3A_75 = arith.constant 8 : i32
      %broadcast_in_dim3A = arith.constant 0.000000e+00 : f32
      %broadcast_in_dim3A_76 = vector.broadcast %broadcast_in_dim3A : f32 to vector<16xf32>
      %swap3A = arith.index_cast %scan3A_67 : i32 to index
      %swap3A_77 = arith.constant 0 : index
      %swap3A_78 = tpu.vector_load %arg9[%swap3A, %swap3A_77] {strides = array<i32>} : memref<64x16xf32, #tpu.memory_space<vmem>>, vector<1x16xf32>,
      %swap3A_79 = vector.shape_cast %swap3A_78 : vector<1x16xf32> to vector<16xf32>
      %swap3A_80 = vector.shape_cast %broadcast_in_dim3A_76 : vector<16xf32> to vector<1x16xf32>
      tpu.vector_store %arg9[%swap3A, %swap3A_77], %swap3A_80 {strides = array<i32>} : memref<64x16xf32, #tpu.memory_space<vmem>>, vector<1x16xf32>,
      %scan3A_81 = arith.constant 0 : i32
      scf.yield %scan3A_81 : i32
    }
    %scan3A_6 = arith.constant 64 : i32
    %mul3A_7 = arith.constant 640 : i32
    %mul3A_8 = arith.muli %arg1, %mul3A_7 : i32
    %multiple_of3A = tpu.assume_multiple %mul3A_8, 8 : i32
    %scan3A_9 = arith.constant 0 : i32
    %scan3A_10 = arith.constant 0 : i32
    %scan3A_11 = arith.constant 10 : i32
    %scan3A_12 = arith.addi %scan3A_10, %scan3A_11 : i32
    %scan3A_13 = arith.constant 1 : i32
    %scan3A_14 = scf.for %scan3A_67 = %scan3A_10 to %scan3A_12 step %scan3A_13 iter_args(%scan3A_68 = %scan3A_9) -> (i32)  : i32 {
      %mul3A_69 = arith.constant 64 : i32
      %mul3A_70 = arith.muli %scan3A_67, %mul3A_69 : i32
      %add3A_71 = arith.addi %multiple_of3A, %mul3A_70 : i32
      %multiple_of3A_72 = tpu.assume_multiple %add3A_71, 8 : i32
      %dma_start3A = arith.constant 0 : i32
      %dma_start3A_73 = arith.constant 0 : i32
      %dma_start3A_74 = arith.constant 0 : i32
      %dma_start3A_75 = tpu.memref_slice %arg8[%dma_start3A, %dma_start3A_73, %dma_start3A_74] : memref<2x64x128xf32, #tpu.memory_space<vmem>> -> memref<1x64x128xf32, #tpu.memory_space<vmem>>
      %dma_start3A_76 = tpu.memref_squeeze %dma_start3A_75 : memref<1x64x128xf32, #tpu.memory_space<vmem>> -> memref<64x128xf32, #tpu.memory_space<vmem>>
      %dma_start3A_77 = arith.constant 0 : i32
      %dma_start3A_78 = tpu.memref_slice %arg10[%multiple_of3A_72, %dma_start3A_77] : memref<10240x128xf32, #tpu.memory_space<vmem_shared>> -> memref<64x128xf32, #tpu.memory_space<vmem_shared>>
      %dma_start3A_79 = arith.constant 0 : i32
      %dma_start3A_80 = tpu.memref_slice %arg10[%multiple_of3A_72, %dma_start3A_79] : memref<10240x128xf32, #tpu.memory_space<vmem_shared>> -> memref<64x128xf32, #tpu.memory_space<vmem_shared>>
      %dma_start3A_81 = arith.constant 0 : i32
      %dma_start3A_82 = arith.constant 0 : i32
      %dma_start3A_83 = tpu.memref_slice %arg8[%dma_start3A, %dma_start3A_81, %dma_start3A_82] : memref<2x64x128xf32, #tpu.memory_space<vmem>> -> memref<1x64x128xf32, #tpu.memory_space<vmem>>
      %dma_start3A_84 = tpu.memref_squeeze %dma_start3A_83 : memref<1x64x128xf32, #tpu.memory_space<vmem>> -> memref<64x128xf32, #tpu.memory_space<vmem>>
      tpu.enqueue_dma source(%dma_start3A_84 : memref<64x128xf32, #tpu.memory_space<vmem>>) target(%dma_start3A_80 : memref<64x128xf32, #tpu.memory_space<vmem_shared>>) target_semaphore(%arg13 : memref<!tpu.dma_semaphore, #tpu.memory_space<semaphore_mem>>)
      %dma_start3A_85 = arith.constant 0 : i32
      %dma_start3A_86 = tpu.memref_slice %arg11[%multiple_of3A_72, %dma_start3A_85] : memref<10240x16xf32, #tpu.memory_space<vmem_shared>> -> memref<64x16xf32, #tpu.memory_space<vmem_shared>>
      %dma_start3A_87 = arith.constant 0 : i32
      %dma_start3A_88 = tpu.memref_slice %arg11[%multiple_of3A_72, %dma_start3A_87] : memref<10240x16xf32, #tpu.memory_space<vmem_shared>> -> memref<64x16xf32, #tpu.memory_space<vmem_shared>>
      tpu.enqueue_dma source(%arg9 : memref<64x16xf32, #tpu.memory_space<vmem>>) target(%dma_start3A_88 : memref<64x16xf32, #tpu.memory_space<vmem_shared>>) target_semaphore(%arg13 : memref<!tpu.dma_semaphore, #tpu.memory_space<semaphore_mem>>)
      %scan3A_89 = arith.constant 0 : i32
      scf.yield %scan3A_89 : i32
    }
    %scan3A_15 = arith.constant 10 : i32
    %lt3A = arith.constant 8 : i32
    %lt3A_16 = arith.cmpi slt, %add3A, %lt3A : i32
    %jit3A = arith.constant 1 : i32
    %jit3A_17 = arith.constant 0 : i32
    %select_n3A = arith.select %lt3A_16, %jit3A, %jit3A_17 : i32
    %add3A_18 = arith.constant 156 : i32
    %add3A_19 = arith.addi %add3A_18, %select_n3A : i32
    %mul3A_20 = arith.constant 156 : i32
    %mul3A_21 = arith.muli %mul3A_20, %add3A : i32
    %min3A = arith.constant 8 : i32
    %min3A_22 = arith.minsi %add3A, %min3A : i32
    %add3A_23 = arith.addi %mul3A_21, %min3A_22 : i32
    %mul3A_24 = arith.constant 64 : i32
    %mul3A_25 = arith.muli %add3A_23, %mul3A_24 : i32
    "tpu.region"() ({
      %run_scoped3A = tpu.sem_alloc : memref<!tpu.dma_semaphore, #tpu.memory_space<semaphore_mem>>
      %dma_start3A = arith.constant 0 : i32
      %dma_start3A_67 = tpu.memref_slice %arg6[%dma_start3A] : memref<10048xi32, #tpu.memory_space<vmem>> -> memref<9984xi32, #tpu.memory_space<vmem>>
      %dma_start3A_68 = tpu.memref_slice %arg3[%mul3A_25] : memref<640000xi32, #tpu.memory_space<hbm>> -> memref<9984xi32, #tpu.memory_space<hbm>>
      %dma_start3A_69 = arith.constant 0 : i32
      %dma_start3A_70 = tpu.memref_slice %arg6[%dma_start3A_69] : memref<10048xi32, #tpu.memory_space<vmem>> -> memref<9984xi32, #tpu.memory_space<vmem>>
      %dma_start3A_71 = tpu.memref_slice %arg3[%mul3A_25] : memref<640000xi32, #tpu.memory_space<hbm>> -> memref<9984xi32, #tpu.memory_space<hbm>>
      tpu.enqueue_dma source(%dma_start3A_71 : memref<9984xi32, #tpu.memory_space<hbm>>) target(%dma_start3A_70 : memref<9984xi32, #tpu.memory_space<vmem>>) target_semaphore(%run_scoped3A : memref<!tpu.dma_semaphore, #tpu.memory_space<semaphore_mem>>)
      %dma_wait3A = arith.constant 0 : i32
      %dma_wait3A_72 = tpu.memref_slice %arg6[%dma_wait3A] : memref<10048xi32, #tpu.memory_space<vmem>> -> memref<9984xi32, #tpu.memory_space<vmem>>
      %dma_wait3A_73 = tpu.memref_slice %arg3[%mul3A_25] : memref<640000xi32, #tpu.memory_space<hbm>> -> memref<9984xi32, #tpu.memory_space<hbm>>
      %dma_wait3A_74 = arith.constant 0 : i32
      %dma_wait3A_75 = tpu.memref_slice %arg6[%dma_wait3A_74] : memref<10048xi32, #tpu.memory_space<vmem>> -> memref<9984xi32, #tpu.memory_space<vmem>>
      %dma_wait3A_76 = tpu.memref_slice %arg3[%mul3A_25] : memref<640000xi32, #tpu.memory_space<hbm>> -> memref<9984xi32, #tpu.memory_space<hbm>>
      tpu.wait_dma2 semaphore(%run_scoped3A : memref<!tpu.dma_semaphore, #tpu.memory_space<semaphore_mem>>) src(%dma_wait3A_76 : memref<9984xi32, #tpu.memory_space<hbm>>) dst(%dma_wait3A_75 : memref<9984xi32, #tpu.memory_space<vmem>>)
      tpu.yield
    }) : () -> ()
    %add3A_26 = arith.constant 320000 : i32
    %add3A_27 = arith.addi %add3A_26, %mul3A_25 : i32
    "tpu.region"() ({
      %run_scoped3A = tpu.sem_alloc : memref<!tpu.dma_semaphore, #tpu.memory_space<semaphore_mem>>
      %dma_start3A = arith.constant 0 : i32
      %dma_start3A_67 = tpu.memref_slice %arg7[%dma_start3A] : memref<10048xi32, #tpu.memory_space<vmem>> -> memref<9984xi32, #tpu.memory_space<vmem>>
      %dma_start3A_68 = tpu.memref_slice %arg3[%add3A_27] : memref<640000xi32, #tpu.memory_space<hbm>> -> memref<9984xi32, #tpu.memory_space<hbm>>
      %dma_start3A_69 = arith.constant 0 : i32
      %dma_start3A_70 = tpu.memref_slice %arg7[%dma_start3A_69] : memref<10048xi32, #tpu.memory_space<vmem>> -> memref<9984xi32, #tpu.memory_space<vmem>>
      %dma_start3A_71 = tpu.memref_slice %arg3[%add3A_27] : memref<640000xi32, #tpu.memory_space<hbm>> -> memref<9984xi32, #tpu.memory_space<hbm>>
      tpu.enqueue_dma source(%dma_start3A_71 : memref<9984xi32, #tpu.memory_space<hbm>>) target(%dma_start3A_70 : memref<9984xi32, #tpu.memory_space<vmem>>) target_semaphore(%run_scoped3A : memref<!tpu.dma_semaphore, #tpu.memory_space<semaphore_mem>>)
      %dma_wait3A = arith.constant 0 : i32
      %dma_wait3A_72 = tpu.memref_slice %arg7[%dma_wait3A] : memref<10048xi32, #tpu.memory_space<vmem>> -> memref<9984xi32, #tpu.memory_space<vmem>>
      %dma_wait3A_73 = tpu.memref_slice %arg3[%add3A_27] : memref<640000xi32, #tpu.memory_space<hbm>> -> memref<9984xi32, #tpu.memory_space<hbm>>
      %dma_wait3A_74 = arith.constant 0 : i32
      %dma_wait3A_75 = tpu.memref_slice %arg7[%dma_wait3A_74] : memref<10048xi32, #tpu.memory_space<vmem>> -> memref<9984xi32, #tpu.memory_space<vmem>>
      %dma_wait3A_76 = tpu.memref_slice %arg3[%add3A_27] : memref<640000xi32, #tpu.memory_space<hbm>> -> memref<9984xi32, #tpu.memory_space<hbm>>
      tpu.wait_dma2 semaphore(%run_scoped3A : memref<!tpu.dma_semaphore, #tpu.memory_space<semaphore_mem>>) src(%dma_wait3A_76 : memref<9984xi32, #tpu.memory_space<hbm>>) dst(%dma_wait3A_75 : memref<9984xi32, #tpu.memory_space<vmem>>)
      tpu.yield
    }) : () -> ()
    %lt3A_28 = arith.constant 8 : i32
    %lt3A_29 = arith.cmpi slt, %add3A, %lt3A_28 : i32
    %convert_element_type3A = arith.extui %lt3A_29 : i1 to i32
    %cond3A = arith.constant 0 : i32
    %cond3A_30 = arith.cmpi ne, %convert_element_type3A, %cond3A : i32
    scf.if %cond3A_30 {
      %add3A_67 = arith.constant 9984 : i32
      %add3A_68 = arith.addi %mul3A_25, %add3A_67 : i32
      "tpu.region"() ({
        %run_scoped3A = tpu.sem_alloc : memref<!tpu.dma_semaphore, #tpu.memory_space<semaphore_mem>>
        %dma_start3A = arith.constant 9984 : i32
        %dma_start3A_73 = tpu.memref_slice %arg6[%dma_start3A] : memref<10048xi32, #tpu.memory_space<vmem>> -> memref<64xi32, #tpu.memory_space<vmem>>
        %dma_start3A_74 = tpu.memref_slice %arg3[%add3A_68] : memref<640000xi32, #tpu.memory_space<hbm>> -> memref<64xi32, #tpu.memory_space<hbm>>
        %dma_start3A_75 = arith.constant 9984 : i32
        %dma_start3A_76 = tpu.memref_slice %arg6[%dma_start3A_75] : memref<10048xi32, #tpu.memory_space<vmem>> -> memref<64xi32, #tpu.memory_space<vmem>>
        %dma_start3A_77 = tpu.memref_slice %arg3[%add3A_68] : memref<640000xi32, #tpu.memory_space<hbm>> -> memref<64xi32, #tpu.memory_space<hbm>>
        tpu.enqueue_dma source(%dma_start3A_77 : memref<64xi32, #tpu.memory_space<hbm>>) target(%dma_start3A_76 : memref<64xi32, #tpu.memory_space<vmem>>) target_semaphore(%run_scoped3A : memref<!tpu.dma_semaphore, #tpu.memory_space<semaphore_mem>>)
        %dma_wait3A = arith.constant 9984 : i32
        %dma_wait3A_78 = tpu.memref_slice %arg6[%dma_wait3A] : memref<10048xi32, #tpu.memory_space<vmem>> -> memref<64xi32, #tpu.memory_space<vmem>>
        %dma_wait3A_79 = tpu.memref_slice %arg3[%add3A_68] : memref<640000xi32, #tpu.memory_space<hbm>> -> memref<64xi32, #tpu.memory_space<hbm>>
        %dma_wait3A_80 = arith.constant 9984 : i32
        %dma_wait3A_81 = tpu.memref_slice %arg6[%dma_wait3A_80] : memref<10048xi32, #tpu.memory_space<vmem>> -> memref<64xi32, #tpu.memory_space<vmem>>
        %dma_wait3A_82 = tpu.memref_slice %arg3[%add3A_68] : memref<640000xi32, #tpu.memory_space<hbm>> -> memref<64xi32, #tpu.memory_space<hbm>>
        tpu.wait_dma2 semaphore(%run_scoped3A : memref<!tpu.dma_semaphore, #tpu.memory_space<semaphore_mem>>) src(%dma_wait3A_82 : memref<64xi32, #tpu.memory_space<hbm>>) dst(%dma_wait3A_81 : memref<64xi32, #tpu.memory_space<vmem>>)
        tpu.yield
      }) : () -> ()
      %add3A_69 = arith.constant 320000 : i32
      %add3A_70 = arith.addi %add3A_69, %mul3A_25 : i32
      %add3A_71 = arith.constant 9984 : i32
      %add3A_72 = arith.addi %add3A_70, %add3A_71 : i32
      "tpu.region"() ({
        %run_scoped3A = tpu.sem_alloc : memref<!tpu.dma_semaphore, #tpu.memory_space<semaphore_mem>>
        %dma_start3A = arith.constant 9984 : i32
        %dma_start3A_73 = tpu.memref_slice %arg7[%dma_start3A] : memref<10048xi32, #tpu.memory_space<vmem>> -> memref<64xi32, #tpu.memory_space<vmem>>
        %dma_start3A_74 = tpu.memref_slice %arg3[%add3A_72] : memref<640000xi32, #tpu.memory_space<hbm>> -> memref<64xi32, #tpu.memory_space<hbm>>
        %dma_start3A_75 = arith.constant 9984 : i32
        %dma_start3A_76 = tpu.memref_slice %arg7[%dma_start3A_75] : memref<10048xi32, #tpu.memory_space<vmem>> -> memref<64xi32, #tpu.memory_space<vmem>>
        %dma_start3A_77 = tpu.memref_slice %arg3[%add3A_72] : memref<640000xi32, #tpu.memory_space<hbm>> -> memref<64xi32, #tpu.memory_space<hbm>>
        tpu.enqueue_dma source(%dma_start3A_77 : memref<64xi32, #tpu.memory_space<hbm>>) target(%dma_start3A_76 : memref<64xi32, #tpu.memory_space<vmem>>) target_semaphore(%run_scoped3A : memref<!tpu.dma_semaphore, #tpu.memory_space<semaphore_mem>>)
        %dma_wait3A = arith.constant 9984 : i32
        %dma_wait3A_78 = tpu.memref_slice %arg7[%dma_wait3A] : memref<10048xi32, #tpu.memory_space<vmem>> -> memref<64xi32, #tpu.memory_space<vmem>>
        %dma_wait3A_79 = tpu.memref_slice %arg3[%add3A_72] : memref<640000xi32, #tpu.memory_space<hbm>> -> memref<64xi32, #tpu.memory_space<hbm>>
        %dma_wait3A_80 = arith.constant 9984 : i32
        %dma_wait3A_81 = tpu.memref_slice %arg7[%dma_wait3A_80] : memref<10048xi32, #tpu.memory_space<vmem>> -> memref<64xi32, #tpu.memory_space<vmem>>
        %dma_wait3A_82 = tpu.memref_slice %arg3[%add3A_72] : memref<640000xi32, #tpu.memory_space<hbm>> -> memref<64xi32, #tpu.memory_space<hbm>>
        tpu.wait_dma2 semaphore(%run_scoped3A : memref<!tpu.dma_semaphore, #tpu.memory_space<semaphore_mem>>) src(%dma_wait3A_82 : memref<64xi32, #tpu.memory_space<hbm>>) dst(%dma_wait3A_81 : memref<64xi32, #tpu.memory_space<vmem>>)
        tpu.yield
      }) : () -> ()
    } else {
    }
    %scan3A_31 = arith.constant 0 : i32
    %scan3A_32 = arith.constant 0 : i32
    %scan3A_33 = arith.constant 10 : i32
    %scan3A_34 = arith.addi %scan3A_32, %scan3A_33 : i32
    %scan3A_35 = arith.constant 1 : i32
    %scan3A_36 = scf.for %scan3A_67 = %scan3A_32 to %scan3A_34 step %scan3A_35 iter_args(%scan3A_68 = %scan3A_31) -> (i32)  : i32 {
      %dma_wait3A = arith.constant 0 : i32
      %dma_wait3A_69 = arith.constant 0 : i32
      %dma_wait3A_70 = arith.constant 0 : i32
      %dma_wait3A_71 = tpu.memref_slice %arg8[%dma_wait3A, %dma_wait3A_69, %dma_wait3A_70] : memref<2x64x128xf32, #tpu.memory_space<vmem>> -> memref<1x64x128xf32, #tpu.memory_space<vmem>>
      %dma_wait3A_72 = tpu.memref_squeeze %dma_wait3A_71 : memref<1x64x128xf32, #tpu.memory_space<vmem>> -> memref<64x128xf32, #tpu.memory_space<vmem>>
      %dma_wait3A_73 = arith.constant 0 : i32
      %dma_wait3A_74 = arith.constant 0 : i32
      %dma_wait3A_75 = tpu.memref_slice %arg2[%dma_wait3A_73, %dma_wait3A_74] : memref<10000x128xf32, #tpu.memory_space<hbm>> -> memref<64x128xf32, #tpu.memory_space<hbm>>
      %dma_wait3A_76 = arith.constant 0 : i32
      %dma_wait3A_77 = arith.constant 0 : i32
      %dma_wait3A_78 = tpu.memref_slice %arg8[%dma_wait3A, %dma_wait3A_76, %dma_wait3A_77] : memref<2x64x128xf32, #tpu.memory_space<vmem>> -> memref<1x64x128xf32, #tpu.memory_space<vmem>>
      %dma_wait3A_79 = tpu.memref_squeeze %dma_wait3A_78 : memref<1x64x128xf32, #tpu.memory_space<vmem>> -> memref<64x128xf32, #tpu.memory_space<vmem>>
      %dma_wait3A_80 = arith.constant 0 : i32
      %dma_wait3A_81 = arith.constant 0 : i32
      %dma_wait3A_82 = tpu.memref_slice %arg2[%dma_wait3A_80, %dma_wait3A_81] : memref<10000x128xf32, #tpu.memory_space<hbm>> -> memref<64x128xf32, #tpu.memory_space<hbm>>
      tpu.wait_dma2 semaphore(%arg13 : memref<!tpu.dma_semaphore, #tpu.memory_space<semaphore_mem>>) src(%dma_wait3A_82 : memref<64x128xf32, #tpu.memory_space<hbm>>) dst(%dma_wait3A_79 : memref<64x128xf32, #tpu.memory_space<vmem>>)
      %dma_wait3A_83 = arith.constant 0 : i32
      %dma_wait3A_84 = arith.constant 0 : i32
      %dma_wait3A_85 = tpu.memref_slice %arg2[%dma_wait3A_83, %dma_wait3A_84] : memref<10000x128xf32, #tpu.memory_space<hbm>> -> memref<64x16xf32, #tpu.memory_space<hbm>>
      %dma_wait3A_86 = arith.constant 0 : i32
      %dma_wait3A_87 = arith.constant 0 : i32
      %dma_wait3A_88 = tpu.memref_slice %arg2[%dma_wait3A_86, %dma_wait3A_87] : memref<10000x128xf32, #tpu.memory_space<hbm>> -> memref<64x16xf32, #tpu.memory_space<hbm>>
      tpu.wait_dma2 semaphore(%arg13 : memref<!tpu.dma_semaphore, #tpu.memory_space<semaphore_mem>>) src(%dma_wait3A_88 : memref<64x16xf32, #tpu.memory_space<hbm>>) dst(%arg9 : memref<64x16xf32, #tpu.memory_space<vmem>>)
      %scan3A_89 = arith.constant 0 : i32
      scf.yield %scan3A_89 : i32
    }
    %scan3A_37 = arith.constant 10 : i32
    %scan3A_38 = arith.constant 0 : i32
    %scan3A_39 = arith.constant 0 : i32
    %scan3A_40 = arith.constant 64 : i32
    %scan3A_41 = arith.addi %scan3A_39, %scan3A_40 : i32
    %scan3A_42 = arith.constant 1 : i32
    %scan3A_43 = scf.for %scan3A_67 = %scan3A_39 to %scan3A_41 step %scan3A_42 iter_args(%scan3A_68 = %scan3A_38) -> (i32)  : i32 {
      %broadcast_in_dim3A = arith.constant 1.000000e+00 : f32
      %broadcast_in_dim3A_69 = vector.broadcast %broadcast_in_dim3A : f32 to vector<16xf32>
      %swap3A = arith.index_cast %scan3A_67 : i32 to index
      %swap3A_70 = arith.constant 0 : index
      %swap3A_71 = tpu.vector_load %arg9[%swap3A, %swap3A_70] {strides = array<i32>} : memref<64x16xf32, #tpu.memory_space<vmem>>, vector<1x16xf32>,
      %swap3A_72 = vector.shape_cast %swap3A_71 : vector<1x16xf32> to vector<16xf32>
      %swap3A_73 = vector.shape_cast %broadcast_in_dim3A_69 : vector<16xf32> to vector<1x16xf32>
      tpu.vector_store %arg9[%swap3A, %swap3A_70], %swap3A_73 {strides = array<i32>} : memref<64x16xf32, #tpu.memory_space<vmem>>, vector<1x16xf32>,
      %scan3A_74 = arith.constant 0 : i32
      scf.yield %scan3A_74 : i32
    }
    %scan3A_44 = arith.constant 64 : i32
    %barrier3A = arith.constant 0 : index
    tpu.barrier barrier_id(%barrier3A)
    %add3A_45 = arith.constant 1 : i32
    %add3A_46 = arith.addi %add3A_19, %add3A_45 : i32
    %while3A = arith.constant 0 : i32
    %while3A_47 = arith.constant 0 : i32
    %while3A_48 = arith.subi %add3A_46, %while3A_47 : i32
    %while3A_49 = arith.addi %while3A_47, %while3A_48 : i32
    %while3A_50 = arith.constant 1 : i32
    %while3A_51 = arith.divsi %while3A_48, %while3A_50 : i32
    %while3A_52 = arith.muli %while3A_51, %while3A_50 : i32
    %while3A_53 = arith.addi %while3A_47, %while3A_52 : i32
    %while3A_54 = arith.constant 1 : i32
    scf.for %while3A_67 = %while3A_47 to %while3A_53 step %while3A_54  : i32 {
      %and3A = arith.constant 1 : i32
      %and3A_68 = arith.andi %while3A_67, %and3A : i32
      %lt3A_69 = arith.cmpi slt, %while3A_67, %add3A_19 : i32
      %convert_element_type3A_70 = arith.extui %lt3A_69 : i1 to i32
      %cond3A_71 = arith.constant 0 : i32
      %cond3A_72 = arith.cmpi ne, %convert_element_type3A_70, %cond3A_71 : i32
      scf.if %cond3A_72 {
        %mul3A_77 = arith.constant 64 : i32
        %mul3A_78 = arith.muli %while3A_67, %mul3A_77 : i32
        %dma_start3A = arith.constant 0 : i32
        %dma_start3A_79 = arith.constant 0 : i32
        %dma_start3A_80 = tpu.memref_slice %arg8[%and3A_68, %dma_start3A, %dma_start3A_79] : memref<2x64x128xf32, #tpu.memory_space<vmem>> -> memref<1x64x128xf32, #tpu.memory_space<vmem>>
        %dma_start3A_81 = tpu.memref_squeeze %dma_start3A_80 : memref<1x64x128xf32, #tpu.memory_space<vmem>> -> memref<64x128xf32, #tpu.memory_space<vmem>>
        %dma_start3A_82 = tpu.memref_slice %arg6[%mul3A_78] : memref<10048xi32, #tpu.memory_space<vmem>> -> memref<64xi32, #tpu.memory_space<vmem>>
        %dma_start3A_83 = arith.constant 0 : i32
        %dma_start3A_84 = arith.constant 0 : i32
        %dma_start3A_85 = tpu.memref_slice %arg2[%dma_start3A_83, %dma_start3A_84] : memref<10000x128xf32, #tpu.memory_space<hbm>> -> memref<10000x128xf32, #tpu.memory_space<hbm>>
        %dma_start3A_86 = tpu.memref_slice %arg12[%and3A_68] : memref<2x!tpu.dma_semaphore, #tpu.memory_space<semaphore_mem>> -> memref<1x!tpu.dma_semaphore, #tpu.memory_space<semaphore_mem>>
        %dma_start3A_87 = tpu.memref_squeeze %dma_start3A_86 : memref<1x!tpu.dma_semaphore, #tpu.memory_space<semaphore_mem>> -> memref<!tpu.dma_semaphore, #tpu.memory_space<semaphore_mem>>
        tpu.enqueue_indirect_dma source(%dma_start3A_85 : memref<10000x128xf32, #tpu.memory_space<hbm>>) target(%dma_start3A_81 : memref<64x128xf32, #tpu.memory_space<vmem>>) offsets(%dma_start3A_82 : memref<64xi32, #tpu.memory_space<vmem>>) semaphore(%dma_start3A_87 : memref<!tpu.dma_semaphore, #tpu.memory_space<semaphore_mem>>)
      } else {
      }
      %gt3A = arith.constant 0 : i32
      %gt3A_73 = arith.cmpi sgt, %while3A_67, %gt3A : i32
      %convert_element_type3A_74 = arith.extui %gt3A_73 : i1 to i32
      %cond3A_75 = arith.constant 0 : i32
      %cond3A_76 = arith.cmpi ne, %convert_element_type3A_74, %cond3A_75 : i32
      scf.if %cond3A_76 {
        %sub3A = arith.constant 1 : i32
        %sub3A_77 = arith.subi %while3A_67, %sub3A : i32
        %and3A_78 = arith.constant 1 : i32
        %and3A_79 = arith.andi %sub3A_77, %and3A_78 : i32
        %sub3A_80 = arith.constant 1 : i32
        %sub3A_81 = arith.subi %while3A_67, %sub3A_80 : i32
        %mul3A_82 = arith.constant 64 : i32
        %mul3A_83 = arith.muli %sub3A_81, %mul3A_82 : i32
        %dma_wait3A = arith.constant 0 : i32
        %dma_wait3A_84 = arith.constant 0 : i32
        %dma_wait3A_85 = tpu.memref_slice %arg8[%and3A_79, %dma_wait3A, %dma_wait3A_84] : memref<2x64x128xf32, #tpu.memory_space<vmem>> -> memref<1x64x128xf32, #tpu.memory_space<vmem>>
        %dma_wait3A_86 = tpu.memref_squeeze %dma_wait3A_85 : memref<1x64x128xf32, #tpu.memory_space<vmem>> -> memref<64x128xf32, #tpu.memory_space<vmem>>
        %dma_wait3A_87 = arith.constant 0 : i32
        %dma_wait3A_88 = arith.constant 0 : i32
        %dma_wait3A_89 = tpu.memref_slice %arg2[%dma_wait3A_87, %dma_wait3A_88] : memref<10000x128xf32, #tpu.memory_space<hbm>> -> memref<64x128xf32, #tpu.memory_space<hbm>>
        %dma_wait3A_90 = tpu.memref_slice %arg12[%and3A_79] : memref<2x!tpu.dma_semaphore, #tpu.memory_space<semaphore_mem>> -> memref<1x!tpu.dma_semaphore, #tpu.memory_space<semaphore_mem>>
        %dma_wait3A_91 = tpu.memref_squeeze %dma_wait3A_90 : memref<1x!tpu.dma_semaphore, #tpu.memory_space<semaphore_mem>> -> memref<!tpu.dma_semaphore, #tpu.memory_space<semaphore_mem>>
        %dma_wait3A_92 = arith.constant 0 : i32
        %dma_wait3A_93 = arith.constant 0 : i32
        %dma_wait3A_94 = tpu.memref_slice %arg8[%and3A_79, %dma_wait3A_92, %dma_wait3A_93] : memref<2x64x128xf32, #tpu.memory_space<vmem>> -> memref<1x64x128xf32, #tpu.memory_space<vmem>>
        %dma_wait3A_95 = tpu.memref_squeeze %dma_wait3A_94 : memref<1x64x128xf32, #tpu.memory_space<vmem>> -> memref<64x128xf32, #tpu.memory_space<vmem>>
        %dma_wait3A_96 = arith.constant 0 : i32
        %dma_wait3A_97 = arith.constant 0 : i32
        %dma_wait3A_98 = tpu.memref_slice %arg2[%dma_wait3A_96, %dma_wait3A_97] : memref<10000x128xf32, #tpu.memory_space<hbm>> -> memref<64x128xf32, #tpu.memory_space<hbm>>
        tpu.wait_dma2 semaphore(%dma_wait3A_91 : memref<!tpu.dma_semaphore, #tpu.memory_space<semaphore_mem>>) src(%dma_wait3A_98 : memref<64x128xf32, #tpu.memory_space<hbm>>) dst(%dma_wait3A_95 : memref<64x128xf32, #tpu.memory_space<vmem>>)
        "tpu.region"() ({
          %run_scoped3A = tpu.sem_alloc : memref<!tpu.dma_semaphore, #tpu.memory_space<semaphore_mem>>
          %dma_start3A_102 = arith.constant 0 : i32
          %dma_start3A_103 = arith.constant 0 : i32
          %dma_start3A_104 = tpu.memref_slice %arg8[%and3A_79, %dma_start3A_102, %dma_start3A_103] : memref<2x64x128xf32, #tpu.memory_space<vmem>> -> memref<1x64x128xf32, #tpu.memory_space<vmem>>
          %dma_start3A_105 = tpu.memref_squeeze %dma_start3A_104 : memref<1x64x128xf32, #tpu.memory_space<vmem>> -> memref<64x128xf32, #tpu.memory_space<vmem>>
          %dma_start3A_106 = tpu.memref_slice %arg7[%mul3A_83] : memref<10048xi32, #tpu.memory_space<vmem>> -> memref<64xi32, #tpu.memory_space<vmem>>
          %dma_start3A_107 = arith.constant 0 : i32
          %dma_start3A_108 = arith.constant 0 : i32
          %dma_start3A_109 = tpu.memref_slice %arg10[%dma_start3A_107, %dma_start3A_108] : memref<10240x128xf32, #tpu.memory_space<vmem_shared>> -> memref<10240x128xf32, #tpu.memory_space<vmem_shared>>
          tpu.enqueue_indirect_dma source(%dma_start3A_105 : memref<64x128xf32, #tpu.memory_space<vmem>>) target(%dma_start3A_109 : memref<10240x128xf32, #tpu.memory_space<vmem_shared>>) offsets(%dma_start3A_106 : memref<64xi32, #tpu.memory_space<vmem>>) semaphore(%run_scoped3A : memref<!tpu.dma_semaphore, #tpu.memory_space<semaphore_mem>>) {add = true}
          %dma_wait3A_110 = arith.constant 0 : i32
          %dma_wait3A_111 = arith.constant 0 : i32
          %dma_wait3A_112 = tpu.memref_slice %arg8[%and3A_79, %dma_wait3A_110, %dma_wait3A_111] : memref<2x64x128xf32, #tpu.memory_space<vmem>> -> memref<1x64x128xf32, #tpu.memory_space<vmem>>
          %dma_wait3A_113 = tpu.memref_squeeze %dma_wait3A_112 : memref<1x64x128xf32, #tpu.memory_space<vmem>> -> memref<64x128xf32, #tpu.memory_space<vmem>>
          %dma_wait3A_114 = tpu.memref_slice %arg7[%mul3A_83] : memref<10048xi32, #tpu.memory_space<vmem>> -> memref<64xi32, #tpu.memory_space<vmem>>
          %dma_wait3A_115 = arith.constant 0 : i32
          %dma_wait3A_116 = arith.constant 0 : i32
          %dma_wait3A_117 = tpu.memref_slice %arg10[%dma_wait3A_115, %dma_wait3A_116] : memref<10240x128xf32, #tpu.memory_space<vmem_shared>> -> memref<10240x128xf32, #tpu.memory_space<vmem_shared>>
          tpu.wait_indirect_dma semaphore(%run_scoped3A : memref<!tpu.dma_semaphore, #tpu.memory_space<semaphore_mem>>) src(%dma_wait3A_113 : memref<64x128xf32, #tpu.memory_space<vmem>>) dst(%dma_wait3A_117 : memref<10240x128xf32, #tpu.memory_space<vmem_shared>>)
          tpu.yield
        }) : () -> ()
        %dma_start3A = tpu.memref_slice %arg7[%mul3A_83] : memref<10048xi32, #tpu.memory_space<vmem>> -> memref<64xi32, #tpu.memory_space<vmem>>
        %dma_start3A_99 = arith.constant 0 : i32
        %dma_start3A_100 = arith.constant 0 : i32
        %dma_start3A_101 = tpu.memref_slice %arg11[%dma_start3A_99, %dma_start3A_100] : memref<10240x16xf32, #tpu.memory_space<vmem_shared>> -> memref<10240x16xf32, #tpu.memory_space<vmem_shared>>
        tpu.enqueue_indirect_dma source(%arg9 : memref<64x16xf32, #tpu.memory_space<vmem>>) target(%dma_start3A_101 : memref<10240x16xf32, #tpu.memory_space<vmem_shared>>) offsets(%dma_start3A : memref<64xi32, #tpu.memory_space<vmem>>) semaphore(%arg13 : memref<!tpu.dma_semaphore, #tpu.memory_space<semaphore_mem>>) {add = true}
      } else {
      }
    }
    %while3A_55 = arith.constant 1 : i32
    scf.for %while3A_67 = %while3A_53 to %while3A_49 step %while3A_55  : i32 {
      %and3A = arith.constant 1 : i32
      %and3A_68 = arith.andi %while3A_67, %and3A : i32
      %lt3A_69 = arith.cmpi slt, %while3A_67, %add3A_19 : i32
      %convert_element_type3A_70 = arith.extui %lt3A_69 : i1 to i32
      %cond3A_71 = arith.constant 0 : i32
      %cond3A_72 = arith.cmpi ne, %convert_element_type3A_70, %cond3A_71 : i32
      scf.if %cond3A_72 {
        %mul3A_77 = arith.constant 64 : i32
        %mul3A_78 = arith.muli %while3A_67, %mul3A_77 : i32
        %dma_start3A = arith.constant 0 : i32
        %dma_start3A_79 = arith.constant 0 : i32
        %dma_start3A_80 = tpu.memref_slice %arg8[%and3A_68, %dma_start3A, %dma_start3A_79] : memref<2x64x128xf32, #tpu.memory_space<vmem>> -> memref<1x64x128xf32, #tpu.memory_space<vmem>>
        %dma_start3A_81 = tpu.memref_squeeze %dma_start3A_80 : memref<1x64x128xf32, #tpu.memory_space<vmem>> -> memref<64x128xf32, #tpu.memory_space<vmem>>
        %dma_start3A_82 = tpu.memref_slice %arg6[%mul3A_78] : memref<10048xi32, #tpu.memory_space<vmem>> -> memref<64xi32, #tpu.memory_space<vmem>>
        %dma_start3A_83 = arith.constant 0 : i32
        %dma_start3A_84 = arith.constant 0 : i32
        %dma_start3A_85 = tpu.memref_slice %arg2[%dma_start3A_83, %dma_start3A_84] : memref<10000x128xf32, #tpu.memory_space<hbm>> -> memref<10000x128xf32, #tpu.memory_space<hbm>>
        %dma_start3A_86 = tpu.memref_slice %arg12[%and3A_68] : memref<2x!tpu.dma_semaphore, #tpu.memory_space<semaphore_mem>> -> memref<1x!tpu.dma_semaphore, #tpu.memory_space<semaphore_mem>>
        %dma_start3A_87 = tpu.memref_squeeze %dma_start3A_86 : memref<1x!tpu.dma_semaphore, #tpu.memory_space<semaphore_mem>> -> memref<!tpu.dma_semaphore, #tpu.memory_space<semaphore_mem>>
        tpu.enqueue_indirect_dma source(%dma_start3A_85 : memref<10000x128xf32, #tpu.memory_space<hbm>>) target(%dma_start3A_81 : memref<64x128xf32, #tpu.memory_space<vmem>>) offsets(%dma_start3A_82 : memref<64xi32, #tpu.memory_space<vmem>>) semaphore(%dma_start3A_87 : memref<!tpu.dma_semaphore, #tpu.memory_space<semaphore_mem>>)
      } else {
      }
      %gt3A = arith.constant 0 : i32
      %gt3A_73 = arith.cmpi sgt, %while3A_67, %gt3A : i32
      %convert_element_type3A_74 = arith.extui %gt3A_73 : i1 to i32
      %cond3A_75 = arith.constant 0 : i32
      %cond3A_76 = arith.cmpi ne, %convert_element_type3A_74, %cond3A_75 : i32
      scf.if %cond3A_76 {
        %sub3A = arith.constant 1 : i32
        %sub3A_77 = arith.subi %while3A_67, %sub3A : i32
        %and3A_78 = arith.constant 1 : i32
        %and3A_79 = arith.andi %sub3A_77, %and3A_78 : i32
        %sub3A_80 = arith.constant 1 : i32
        %sub3A_81 = arith.subi %while3A_67, %sub3A_80 : i32
        %mul3A_82 = arith.constant 64 : i32
        %mul3A_83 = arith.muli %sub3A_81, %mul3A_82 : i32
        %dma_wait3A = arith.constant 0 : i32
        %dma_wait3A_84 = arith.constant 0 : i32
        %dma_wait3A_85 = tpu.memref_slice %arg8[%and3A_79, %dma_wait3A, %dma_wait3A_84] : memref<2x64x128xf32, #tpu.memory_space<vmem>> -> memref<1x64x128xf32, #tpu.memory_space<vmem>>
        %dma_wait3A_86 = tpu.memref_squeeze %dma_wait3A_85 : memref<1x64x128xf32, #tpu.memory_space<vmem>> -> memref<64x128xf32, #tpu.memory_space<vmem>>
        %dma_wait3A_87 = arith.constant 0 : i32
        %dma_wait3A_88 = arith.constant 0 : i32
        %dma_wait3A_89 = tpu.memref_slice %arg2[%dma_wait3A_87, %dma_wait3A_88] : memref<10000x128xf32, #tpu.memory_space<hbm>> -> memref<64x128xf32, #tpu.memory_space<hbm>>
        %dma_wait3A_90 = tpu.memref_slice %arg12[%and3A_79] : memref<2x!tpu.dma_semaphore, #tpu.memory_space<semaphore_mem>> -> memref<1x!tpu.dma_semaphore, #tpu.memory_space<semaphore_mem>>
        %dma_wait3A_91 = tpu.memref_squeeze %dma_wait3A_90 : memref<1x!tpu.dma_semaphore, #tpu.memory_space<semaphore_mem>> -> memref<!tpu.dma_semaphore, #tpu.memory_space<semaphore_mem>>
        %dma_wait3A_92 = arith.constant 0 : i32
        %dma_wait3A_93 = arith.constant 0 : i32
        %dma_wait3A_94 = tpu.memref_slice %arg8[%and3A_79, %dma_wait3A_92, %dma_wait3A_93] : memref<2x64x128xf32, #tpu.memory_space<vmem>> -> memref<1x64x128xf32, #tpu.memory_space<vmem>>
        %dma_wait3A_95 = tpu.memref_squeeze %dma_wait3A_94 : memref<1x64x128xf32, #tpu.memory_space<vmem>> -> memref<64x128xf32, #tpu.memory_space<vmem>>
        %dma_wait3A_96 = arith.constant 0 : i32
        %dma_wait3A_97 = arith.constant 0 : i32
        %dma_wait3A_98 = tpu.memref_slice %arg2[%dma_wait3A_96, %dma_wait3A_97] : memref<10000x128xf32, #tpu.memory_space<hbm>> -> memref<64x128xf32, #tpu.memory_space<hbm>>
        tpu.wait_dma2 semaphore(%dma_wait3A_91 : memref<!tpu.dma_semaphore, #tpu.memory_space<semaphore_mem>>) src(%dma_wait3A_98 : memref<64x128xf32, #tpu.memory_space<hbm>>) dst(%dma_wait3A_95 : memref<64x128xf32, #tpu.memory_space<vmem>>)
        "tpu.region"() ({
          %run_scoped3A = tpu.sem_alloc : memref<!tpu.dma_semaphore, #tpu.memory_space<semaphore_mem>>
          %dma_start3A_102 = arith.constant 0 : i32
          %dma_start3A_103 = arith.constant 0 : i32
          %dma_start3A_104 = tpu.memref_slice %arg8[%and3A_79, %dma_start3A_102, %dma_start3A_103] : memref<2x64x128xf32, #tpu.memory_space<vmem>> -> memref<1x64x128xf32, #tpu.memory_space<vmem>>
          %dma_start3A_105 = tpu.memref_squeeze %dma_start3A_104 : memref<1x64x128xf32, #tpu.memory_space<vmem>> -> memref<64x128xf32, #tpu.memory_space<vmem>>
          %dma_start3A_106 = tpu.memref_slice %arg7[%mul3A_83] : memref<10048xi32, #tpu.memory_space<vmem>> -> memref<64xi32, #tpu.memory_space<vmem>>
          %dma_start3A_107 = arith.constant 0 : i32
          %dma_start3A_108 = arith.constant 0 : i32
          %dma_start3A_109 = tpu.memref_slice %arg10[%dma_start3A_107, %dma_start3A_108] : memref<10240x128xf32, #tpu.memory_space<vmem_shared>> -> memref<10240x128xf32, #tpu.memory_space<vmem_shared>>
          tpu.enqueue_indirect_dma source(%dma_start3A_105 : memref<64x128xf32, #tpu.memory_space<vmem>>) target(%dma_start3A_109 : memref<10240x128xf32, #tpu.memory_space<vmem_shared>>) offsets(%dma_start3A_106 : memref<64xi32, #tpu.memory_space<vmem>>) semaphore(%run_scoped3A : memref<!tpu.dma_semaphore, #tpu.memory_space<semaphore_mem>>) {add = true}
          %dma_wait3A_110 = arith.constant 0 : i32
          %dma_wait3A_111 = arith.constant 0 : i32
          %dma_wait3A_112 = tpu.memref_slice %arg8[%and3A_79, %dma_wait3A_110, %dma_wait3A_111] : memref<2x64x128xf32, #tpu.memory_space<vmem>> -> memref<1x64x128xf32, #tpu.memory_space<vmem>>
          %dma_wait3A_113 = tpu.memref_squeeze %dma_wait3A_112 : memref<1x64x128xf32, #tpu.memory_space<vmem>> -> memref<64x128xf32, #tpu.memory_space<vmem>>
          %dma_wait3A_114 = tpu.memref_slice %arg7[%mul3A_83] : memref<10048xi32, #tpu.memory_space<vmem>> -> memref<64xi32, #tpu.memory_space<vmem>>
          %dma_wait3A_115 = arith.constant 0 : i32
          %dma_wait3A_116 = arith.constant 0 : i32
          %dma_wait3A_117 = tpu.memref_slice %arg10[%dma_wait3A_115, %dma_wait3A_116] : memref<10240x128xf32, #tpu.memory_space<vmem_shared>> -> memref<10240x128xf32, #tpu.memory_space<vmem_shared>>
          tpu.wait_indirect_dma semaphore(%run_scoped3A : memref<!tpu.dma_semaphore, #tpu.memory_space<semaphore_mem>>) src(%dma_wait3A_113 : memref<64x128xf32, #tpu.memory_space<vmem>>) dst(%dma_wait3A_117 : memref<10240x128xf32, #tpu.memory_space<vmem_shared>>)
          tpu.yield
        }) : () -> ()
        %dma_start3A = tpu.memref_slice %arg7[%mul3A_83] : memref<10048xi32, #tpu.memory_space<vmem>> -> memref<64xi32, #tpu.memory_space<vmem>>
        %dma_start3A_99 = arith.constant 0 : i32
        %dma_start3A_100 = arith.constant 0 : i32
        %dma_start3A_101 = tpu.memref_slice %arg11[%dma_start3A_99, %dma_start3A_100] : memref<10240x16xf32, #tpu.memory_space<vmem_shared>> -> memref<10240x16xf32, #tpu.memory_space<vmem_shared>>
        tpu.enqueue_indirect_dma source(%arg9 : memref<64x16xf32, #tpu.memory_space<vmem>>) target(%dma_start3A_101 : memref<10240x16xf32, #tpu.memory_space<vmem_shared>>) offsets(%dma_start3A : memref<64xi32, #tpu.memory_space<vmem>>) semaphore(%arg13 : memref<!tpu.dma_semaphore, #tpu.memory_space<semaphore_mem>>) {add = true}
      } else {
      }
    }
    %while3A_56 = arith.constant 0 : i32
    %while3A_57 = arith.constant 0 : i32
    %while3A_58 = arith.subi %add3A_19, %while3A_57 : i32
    %while3A_59 = arith.addi %while3A_57, %while3A_58 : i32
    %while3A_60 = arith.constant 1 : i32
    %while3A_61 = arith.divsi %while3A_58, %while3A_60 : i32
    %while3A_62 = arith.muli %while3A_61, %while3A_60 : i32
    %while3A_63 = arith.addi %while3A_57, %while3A_62 : i32
    %while3A_64 = arith.constant 1 : i32
    scf.for %while3A_67 = %while3A_57 to %while3A_63 step %while3A_64  : i32 {
      %dma_wait3A = arith.constant 0 : i32
      %dma_wait3A_68 = arith.constant 0 : i32
      %dma_wait3A_69 = tpu.memref_slice %arg2[%dma_wait3A, %dma_wait3A_68] : memref<10000x128xf32, #tpu.memory_space<hbm>> -> memref<64x16xf32, #tpu.memory_space<hbm>>
      %dma_wait3A_70 = arith.constant 0 : i32
      %dma_wait3A_71 = arith.constant 0 : i32
      %dma_wait3A_72 = tpu.memref_slice %arg2[%dma_wait3A_70, %dma_wait3A_71] : memref<10000x128xf32, #tpu.memory_space<hbm>> -> memref<64x16xf32, #tpu.memory_space<hbm>>
      tpu.wait_dma2 semaphore(%arg13 : memref<!tpu.dma_semaphore, #tpu.memory_space<semaphore_mem>>) src(%dma_wait3A_72 : memref<64x16xf32, #tpu.memory_space<hbm>>) dst(%arg9 : memref<64x16xf32, #tpu.memory_space<vmem>>)
    }
    %while3A_65 = arith.constant 1 : i32
    scf.for %while3A_67 = %while3A_63 to %while3A_59 step %while3A_65  : i32 {
      %dma_wait3A = arith.constant 0 : i32
      %dma_wait3A_68 = arith.constant 0 : i32
      %dma_wait3A_69 = tpu.memref_slice %arg2[%dma_wait3A, %dma_wait3A_68] : memref<10000x128xf32, #tpu.memory_space<hbm>> -> memref<64x16xf32, #tpu.memory_space<hbm>>
      %dma_wait3A_70 = arith.constant 0 : i32
      %dma_wait3A_71 = arith.constant 0 : i32
      %dma_wait3A_72 = tpu.memref_slice %arg2[%dma_wait3A_70, %dma_wait3A_71] : memref<10000x128xf32, #tpu.memory_space<hbm>> -> memref<64x16xf32, #tpu.memory_space<hbm>>
      tpu.wait_dma2 semaphore(%arg13 : memref<!tpu.dma_semaphore, #tpu.memory_space<semaphore_mem>>) src(%dma_wait3A_72 : memref<64x16xf32, #tpu.memory_space<hbm>>) dst(%arg9 : memref<64x16xf32, #tpu.memory_space<vmem>>)
    }
    %barrier3A_66 = arith.constant 0 : index
    tpu.barrier barrier_id(%barrier3A_66)
    "tpu.region"() ({
      %run_scoped3A = tpu.sem_alloc : memref<!tpu.dma_semaphore, #tpu.memory_space<semaphore_mem>>
      %dma_start3A = arith.constant 0 : i32
      %dma_start3A_67 = tpu.memref_slice %arg4[%arg0, %multiple_of3A, %dma_start3A] : memref<2x10240x128xf32, #tpu.memory_space<hbm>> -> memref<1x640x128xf32, #tpu.memory_space<hbm>>
      %dma_start3A_68 = tpu.memref_squeeze %dma_start3A_67 : memref<1x640x128xf32, #tpu.memory_space<hbm>> -> memref<640x128xf32, #tpu.memory_space<hbm>>
      %dma_start3A_69 = arith.constant 0 : i32
      %dma_start3A_70 = tpu.memref_slice %arg10[%multiple_of3A, %dma_start3A_69] : memref<10240x128xf32, #tpu.memory_space<vmem_shared>> -> memref<640x128xf32, #tpu.memory_space<vmem_shared>>
      tpu.enqueue_dma source(%dma_start3A_70 : memref<640x128xf32, #tpu.memory_space<vmem_shared>>) target(%dma_start3A_68 : memref<640x128xf32, #tpu.memory_space<hbm>>) target_semaphore(%run_scoped3A : memref<!tpu.dma_semaphore, #tpu.memory_space<semaphore_mem>>)
      %dma_wait3A = arith.constant 0 : i32
      %dma_wait3A_71 = tpu.memref_slice %arg4[%arg0, %multiple_of3A, %dma_wait3A] : memref<2x10240x128xf32, #tpu.memory_space<hbm>> -> memref<1x640x128xf32, #tpu.memory_space<hbm>>
      %dma_wait3A_72 = tpu.memref_squeeze %dma_wait3A_71 : memref<1x640x128xf32, #tpu.memory_space<hbm>> -> memref<640x128xf32, #tpu.memory_space<hbm>>
      %dma_wait3A_73 = arith.constant 0 : i32
      %dma_wait3A_74 = tpu.memref_slice %arg10[%multiple_of3A, %dma_wait3A_73] : memref<10240x128xf32, #tpu.memory_space<vmem_shared>> -> memref<640x128xf32, #tpu.memory_space<vmem_shared>>
      tpu.wait_dma2 semaphore(%run_scoped3A : memref<!tpu.dma_semaphore, #tpu.memory_space<semaphore_mem>>) src(%dma_wait3A_74 : memref<640x128xf32, #tpu.memory_space<vmem_shared>>) dst(%dma_wait3A_72 : memref<640x128xf32, #tpu.memory_space<hbm>>)
      tpu.yield
    }) : () -> ()
    "tpu.region"() ({
      %run_scoped3A = tpu.sem_alloc : memref<!tpu.dma_semaphore, #tpu.memory_space<semaphore_mem>>
      %dma_start3A = arith.constant 0 : i32
      %dma_start3A_67 = tpu.memref_slice %arg5[%arg0, %multiple_of3A, %dma_start3A] : memref<2x10240x16xf32, #tpu.memory_space<hbm>> -> memref<1x640x16xf32, #tpu.memory_space<hbm>>
      %dma_start3A_68 = tpu.memref_squeeze %dma_start3A_67 : memref<1x640x16xf32, #tpu.memory_space<hbm>> -> memref<640x16xf32, #tpu.memory_space<hbm>>
      %dma_start3A_69 = arith.constant 0 : i32
      %dma_start3A_70 = tpu.memref_slice %arg11[%multiple_of3A, %dma_start3A_69] : memref<10240x16xf32, #tpu.memory_space<vmem_shared>> -> memref<640x16xf32, #tpu.memory_space<vmem_shared>>
      tpu.enqueue_dma source(%dma_start3A_70 : memref<640x16xf32, #tpu.memory_space<vmem_shared>>) target(%dma_start3A_68 : memref<640x16xf32, #tpu.memory_space<hbm>>) target_semaphore(%run_scoped3A : memref<!tpu.dma_semaphore, #tpu.memory_space<semaphore_mem>>)
      %dma_wait3A = arith.constant 0 : i32
      %dma_wait3A_71 = tpu.memref_slice %arg5[%arg0, %multiple_of3A, %dma_wait3A] : memref<2x10240x16xf32, #tpu.memory_space<hbm>> -> memref<1x640x16xf32, #tpu.memory_space<hbm>>
      %dma_wait3A_72 = tpu.memref_squeeze %dma_wait3A_71 : memref<1x640x16xf32, #tpu.memory_space<hbm>> -> memref<640x16xf32, #tpu.memory_space<hbm>>
      %dma_wait3A_73 = arith.constant 0 : i32
      %dma_wait3A_74 = tpu.memref_slice %arg11[%multiple_of3A, %dma_wait3A_73] : memref<10240x16xf32, #tpu.memory_space<vmem_shared>> -> memref<640x16xf32, #tpu.memory_space<vmem_shared>>
      tpu.wait_dma2 semaphore(%run_scoped3A : memref<!tpu.dma_semaphore, #tpu.memory_space<semaphore_mem>>) src(%dma_wait3A_74 : memref<640x16xf32, #tpu.memory_space<vmem_shared>>) dst(%dma_wait3A_72 : memref<640x16xf32, #tpu.memory_space<hbm>>)
      tpu.yield
    }) : () -> ()
    return
  }
}

module attributes {stable_mosaic.version = 14 : i64} {
  func.func @_tc_self_body(%arg0: i32, %arg1: memref<2000x128xf32, #tpu.memory_space<vmem>>, %arg2: memref<128x128xf32, #tpu.memory_space<vmem>>, %arg3: memref<1x128xf32, #tpu.memory_space<vmem>>, %arg4: memref<2000x128xf32, #tpu.memory_space<vmem>>) attributes {dimension_semantics = [#tpu.dimension_semantics<arbitrary>], iteration_bounds = array<i64: 5>, scalar_prefetch = 0 : i64, scratch_operands = 0 : i64, tpu.core_type = #tpu.core_type<tc>, window_params = [{transform_indices = @transform_0, window_bounds = array<i64: 2000, 128>}, {pipeline_mode = #tpu.pipeline_mode<synchronous>, transform_indices = @transform_1, window_bounds = array<i64: 128, 128>}, {pipeline_mode = #tpu.pipeline_mode<synchronous>, transform_indices = @transform_2, window_bounds = array<i64: 1, 128>}, {transform_indices = @transform_3, window_bounds = array<i64: 2000, 128>}]} {
    %get3A = arith.constant 0 : index
    %get3A_0 = arith.constant 0 : index
    %get3A_1 = vector.load %arg1[%get3A, %get3A_0] : memref<2000x128xf32, #tpu.memory_space<vmem>>, vector<2000x128xf32>
    %get3A_2 = arith.constant 0 : index
    %get3A_3 = arith.constant 0 : index
    %get3A_4 = vector.load %arg2[%get3A_2, %get3A_3] : memref<128x128xf32, #tpu.memory_space<vmem>>, vector<128x128xf32>
    %dot_general3A = arith.constant dense<0.000000e+00> : vector<2000x128xf32>
    %dot_general3A_5 = tpu.matmul %get3A_1, %get3A_4, %dot_general3A {dimension_numbers = #tpu.dot_dimension_numbers<[1], [0], [0], [1], [0, 0, 1, 1], [], []>, transpose_lhs_hint = false} : vector<2000x128xf32>, vector<128x128xf32>, vector<2000x128xf32> -> vector<2000x128xf32>
    %get3A_6 = arith.constant 0 : index
    %get3A_7 = arith.constant 0 : index
    %get3A_8 = vector.load %arg3[%get3A_6, %get3A_7] : memref<1x128xf32, #tpu.memory_space<vmem>>, vector<1x128xf32>
    %add3A = vector.broadcast %get3A_8 : vector<1x128xf32> to vector<2000x128xf32>
    %add3A_9 = arith.addf %dot_general3A_5, %add3A : vector<2000x128xf32>
    %swap3A = arith.constant 0 : index
    %swap3A_10 = arith.constant 0 : index
    %swap3A_11 = vector.load %arg4[%swap3A, %swap3A_10] : memref<2000x128xf32, #tpu.memory_space<vmem>>, vector<2000x128xf32>
    tpu.vector_store %arg4[%swap3A, %swap3A_10], %add3A_9 {strides = array<i32>} : memref<2000x128xf32, #tpu.memory_space<vmem>>, vector<2000x128xf32>,
    return
  }
  func.func @transform_0(%arg0: i32) -> (i32, i32) {
    %c0_i32 = arith.constant 0 : i32
    %c0_i32_0 = arith.constant 0 : i32
    return %arg0, %c0_i32 : i32, i32
  }
  func.func @transform_1(%arg0: i32) -> (i32, i32) {
    %c0_i32 = arith.constant 0 : i32
    %c0_i32_0 = arith.constant 0 : i32
    %c0_i32_1 = arith.constant 0 : i32
    return %c0_i32, %c0_i32_0 : i32, i32
  }
  func.func @transform_2(%arg0: i32) -> (i32, i32) {
    %c0_i32 = arith.constant 0 : i32
    %c0_i32_0 = arith.constant 0 : i32
    %c0_i32_1 = arith.constant 0 : i32
    return %c0_i32, %c0_i32_0 : i32, i32
  }
  func.func @transform_3(%arg0: i32) -> (i32, i32) {
    %c0_i32 = arith.constant 0 : i32
    %c0_i32_0 = arith.constant 0 : i32
    return %arg0, %c0_i32 : i32, i32
  }
}

module attributes {stable_mosaic.version = 14 : i64} {
  func.func @_tc_body(%arg0: i32, %arg1: memref<2x2048x128xf32, #tpu.memory_space<vmem>>, %arg2: memref<2x256x128xf32, #tpu.memory_space<vmem>>, %arg3: memref<2048x128xf32, #tpu.memory_space<vmem>>, %arg4: memref<128x128xf32, #tpu.memory_space<vmem>>, %arg5: memref<2048x128xf32, #tpu.memory_space<vmem>>) attributes {dimension_semantics = [#tpu.dimension_semantics<arbitrary>], iteration_bounds = array<i64: 5>, scalar_prefetch = 0 : i64, scratch_operands = 0 : i64, tpu.core_type = #tpu.core_type<tc>, window_params = [{transform_indices = @transform_0, window_bounds = array<i64: 2, 2048, 128>}, {transform_indices = @transform_1, window_bounds = array<i64: 2, 256, 128>}, {transform_indices = @transform_2, window_bounds = array<i64: 2048, 128>}, {pipeline_mode = #tpu.pipeline_mode<synchronous>, transform_indices = @transform_3, window_bounds = array<i64: 128, 128>}, {transform_indices = @transform_4, window_bounds = array<i64: 2048, 128>}]} {
    %get3A = arith.constant 0 : index
    %get3A_0 = arith.constant 0 : index
    %get3A_1 = arith.constant 0 : index
    %get3A_2 = vector.load %arg1[%get3A, %get3A_0, %get3A_1] : memref<2x2048x128xf32, #tpu.memory_space<vmem>>, vector<1x2048x128xf32>
    %get3A_3 = vector.shape_cast %get3A_2 : vector<1x2048x128xf32> to vector<2048x128xf32>
    %get3A_4 = arith.constant 1 : index
    %get3A_5 = arith.constant 0 : index
    %get3A_6 = arith.constant 0 : index
    %get3A_7 = vector.load %arg1[%get3A_4, %get3A_5, %get3A_6] : memref<2x2048x128xf32, #tpu.memory_space<vmem>>, vector<1x2048x128xf32>
    %get3A_8 = vector.shape_cast %get3A_7 : vector<1x2048x128xf32> to vector<2048x128xf32>
    %add3A = arith.addf %get3A_3, %get3A_8 : vector<2048x128xf32>
    %get3A_9 = arith.constant 0 : index
    %get3A_10 = arith.constant 0 : index
    %get3A_11 = arith.constant 0 : index
    %get3A_12 = vector.load %arg2[%get3A_9, %get3A_10, %get3A_11] : memref<2x256x128xf32, #tpu.memory_space<vmem>>, vector<1x256x128xf32>
    %get3A_13 = vector.shape_cast %get3A_12 : vector<1x256x128xf32> to vector<256x128xf32>
    %get3A_14 = arith.constant 1 : index
    %get3A_15 = arith.constant 0 : index
    %get3A_16 = arith.constant 0 : index
    %get3A_17 = vector.load %arg2[%get3A_14, %get3A_15, %get3A_16] : memref<2x256x128xf32, #tpu.memory_space<vmem>>, vector<1x256x128xf32>
    %get3A_18 = vector.shape_cast %get3A_17 : vector<1x256x128xf32> to vector<256x128xf32>
    %add3A_19 = arith.addf %get3A_13, %get3A_18 : vector<256x128xf32>
    %iota3A = tpu.iota {dimensions = array<i32: 0>} : vector<2048x256xi32>
    %jit3A = arith.constant 8 : i32
    %div3A = vector.broadcast %jit3A : i32 to vector<2048x256xi32>
    %div3A_20 = arith.divsi %iota3A, %div3A : vector<2048x256xi32>
    %sign3A = arith.constant 0 : i32
    %sign3A_21 = vector.broadcast %sign3A : i32 to vector<2048x256xi32>
    %sign3A_22 = arith.cmpi sgt, %iota3A, %sign3A_21 : vector<2048x256xi32>
    %sign3A_23 = arith.extui %sign3A_22 : vector<2048x256xi1> to vector<2048x256xi32>
    %sign3A_24 = arith.constant 0 : i32
    %sign3A_25 = vector.broadcast %sign3A_24 : i32 to vector<2048x256xi32>
    %sign3A_26 = arith.cmpi slt, %iota3A, %sign3A_25 : vector<2048x256xi32>
    %sign3A_27 = arith.extui %sign3A_26 : vector<2048x256xi1> to vector<2048x256xi32>
    %sign3A_28 = arith.subi %sign3A_23, %sign3A_27 : vector<2048x256xi32>
    %sign3A_29 = arith.constant 0 : i32
    %sign3A_30 = arith.cmpi sgt, %jit3A, %sign3A_29 : i32
    %sign3A_31 = arith.extui %sign3A_30 : i1 to i32
    %sign3A_32 = arith.constant 0 : i32
    %sign3A_33 = arith.cmpi slt, %jit3A, %sign3A_32 : i32
    %sign3A_34 = arith.extui %sign3A_33 : i1 to i32
    %sign3A_35 = arith.subi %sign3A_31, %sign3A_34 : i32
    %ne3A = vector.broadcast %sign3A_35 : i32 to vector<2048x256xi32>
    %ne3A_36 = arith.cmpi ne, %sign3A_28, %ne3A : vector<2048x256xi32>
    %rem3A = vector.broadcast %jit3A : i32 to vector<2048x256xi32>
    %rem3A_37 = arith.remsi %iota3A, %rem3A : vector<2048x256xi32>
    %ne3A_38 = arith.constant 0 : i32
    %ne3A_39 = vector.broadcast %ne3A_38 : i32 to vector<2048x256xi32>
    %ne3A_40 = arith.cmpi ne, %rem3A_37, %ne3A_39 : vector<2048x256xi32>
    %and3A = arith.andi %ne3A_36, %ne3A_40 : vector<2048x256xi1>
    %sub3A = arith.constant 1 : i32
    %sub3A_41 = vector.broadcast %sub3A : i32 to vector<2048x256xi32>
    %sub3A_42 = arith.subi %div3A_20, %sub3A_41 : vector<2048x256xi32>
    %select_n3A = arith.select %and3A, %sub3A_42, %div3A_20 : vector<2048x256xi1>, vector<2048x256xi32>
    %iota3A_43 = tpu.iota {dimensions = array<i32: 1>} : vector<2048x256xi32>
    %eq3A = arith.cmpi eq, %select_n3A, %iota3A_43 : vector<2048x256xi32>
    %jit3A_44 = arith.constant 1.000000e+00 : f32
    %jit3A_45 = arith.constant 0.000000e+00 : f32
    %broadcast_in_dim3A = vector.broadcast %jit3A_44 : f32 to vector<2048x256xf32>
    %broadcast_in_dim3A_46 = vector.broadcast %jit3A_45 : f32 to vector<2048x256xf32>
    %select_n3A_47 = arith.select %eq3A, %broadcast_in_dim3A, %broadcast_in_dim3A_46 : vector<2048x256xi1>, vector<2048x256xf32>
    %dot_general3A = arith.constant dense<0.000000e+00> : vector<2048x128xf32>
    %dot_general3A_48 = tpu.matmul %select_n3A_47, %add3A_19, %dot_general3A {dimension_numbers = #tpu.dot_dimension_numbers<[1], [0], [0], [1], [0, 0, 1, 1], [], []>, transpose_lhs_hint = false} : vector<2048x256xf32>, vector<256x128xf32>, vector<2048x128xf32> -> vector<2048x128xf32>
    %iota3A_49 = tpu.iota {dimensions = array<i32: 1>} : vector<2048x128xi32>
    %jit3A_50 = arith.constant 16 : i32
    %div3A_51 = vector.broadcast %jit3A_50 : i32 to vector<2048x128xi32>
    %div3A_52 = arith.divsi %iota3A_49, %div3A_51 : vector<2048x128xi32>
    %sign3A_53 = arith.constant 0 : i32
    %sign3A_54 = vector.broadcast %sign3A_53 : i32 to vector<2048x128xi32>
    %sign3A_55 = arith.cmpi sgt, %iota3A_49, %sign3A_54 : vector<2048x128xi32>
    %sign3A_56 = arith.extui %sign3A_55 : vector<2048x128xi1> to vector<2048x128xi32>
    %sign3A_57 = arith.constant 0 : i32
    %sign3A_58 = vector.broadcast %sign3A_57 : i32 to vector<2048x128xi32>
    %sign3A_59 = arith.cmpi slt, %iota3A_49, %sign3A_58 : vector<2048x128xi32>
    %sign3A_60 = arith.extui %sign3A_59 : vector<2048x128xi1> to vector<2048x128xi32>
    %sign3A_61 = arith.subi %sign3A_56, %sign3A_60 : vector<2048x128xi32>
    %sign3A_62 = arith.constant 0 : i32
    %sign3A_63 = arith.cmpi sgt, %jit3A_50, %sign3A_62 : i32
    %sign3A_64 = arith.extui %sign3A_63 : i1 to i32
    %sign3A_65 = arith.constant 0 : i32
    %sign3A_66 = arith.cmpi slt, %jit3A_50, %sign3A_65 : i32
    %sign3A_67 = arith.extui %sign3A_66 : i1 to i32
    %sign3A_68 = arith.subi %sign3A_64, %sign3A_67 : i32
    %ne3A_69 = vector.broadcast %sign3A_68 : i32 to vector<2048x128xi32>
    %ne3A_70 = arith.cmpi ne, %sign3A_61, %ne3A_69 : vector<2048x128xi32>
    %rem3A_71 = vector.broadcast %jit3A_50 : i32 to vector<2048x128xi32>
    %rem3A_72 = arith.remsi %iota3A_49, %rem3A_71 : vector<2048x128xi32>
    %ne3A_73 = arith.constant 0 : i32
    %ne3A_74 = vector.broadcast %ne3A_73 : i32 to vector<2048x128xi32>
    %ne3A_75 = arith.cmpi ne, %rem3A_72, %ne3A_74 : vector<2048x128xi32>
    %and3A_76 = arith.andi %ne3A_70, %ne3A_75 : vector<2048x128xi1>
    %sub3A_77 = arith.constant 1 : i32
    %sub3A_78 = vector.broadcast %sub3A_77 : i32 to vector<2048x128xi32>
    %sub3A_79 = arith.subi %div3A_52, %sub3A_78 : vector<2048x128xi32>
    %select_n3A_80 = arith.select %and3A_76, %sub3A_79, %div3A_52 : vector<2048x128xi1>, vector<2048x128xi32>
    %iota3A_81 = tpu.iota {dimensions = array<i32: 0>} : vector<2048x128xi32>
    %jit3A_82 = arith.constant 8 : i32
    %eq3A_83 = arith.constant 0 : i32
    %eq3A_84 = arith.cmpi eq, %jit3A_82, %eq3A_83 : i32
    %jit3A_85 = arith.constant 1 : i32
    %select_n3A_86 = arith.select %eq3A_84, %jit3A_85, %jit3A_82 : i32
    %rem3A_87 = vector.broadcast %select_n3A_86 : i32 to vector<2048x128xi32>
    %rem3A_88 = arith.remsi %iota3A_81, %rem3A_87 : vector<2048x128xi32>
    %ne3A_89 = arith.constant 0 : i32
    %ne3A_90 = vector.broadcast %ne3A_89 : i32 to vector<2048x128xi32>
    %ne3A_91 = arith.cmpi ne, %rem3A_88, %ne3A_90 : vector<2048x128xi32>
    %lt3A = arith.constant 0 : i32
    %lt3A_92 = vector.broadcast %lt3A : i32 to vector<2048x128xi32>
    %lt3A_93 = arith.cmpi slt, %rem3A_88, %lt3A_92 : vector<2048x128xi32>
    %lt3A_94 = arith.constant 0 : i32
    %lt3A_95 = arith.cmpi slt, %select_n3A_86, %lt3A_94 : i32
    %ne3A_96 = vector.broadcast %lt3A_95 : i1 to vector<2048x128xi1>
    %ne3A_97 = vector.broadcast %ne3A_96 : vector<2048x128xi1> to vector<2048x128xi1>
    %ne3A_98 = arith.xori %lt3A_93, %ne3A_97 : vector<2048x128xi1>
    %and3A_99 = arith.andi %ne3A_98, %ne3A_91 : vector<2048x128xi1>
    %add3A_100 = vector.broadcast %select_n3A_86 : i32 to vector<2048x128xi32>
    %add3A_101 = arith.addi %rem3A_88, %add3A_100 : vector<2048x128xi32>
    %select_n3A_102 = arith.select %and3A_99, %add3A_101, %rem3A_88 : vector<2048x128xi1>, vector<2048x128xi32>
    %eq3A_103 = arith.cmpi eq, %select_n3A_80, %select_n3A_102 : vector<2048x128xi32>
    %jit3A_104 = arith.constant 0.000000e+00 : f32
    %broadcast_in_dim3A_105 = vector.broadcast %jit3A_104 : f32 to vector<2048x128xf32>
    %select_n3A_106 = arith.select %eq3A_103, %dot_general3A_48, %broadcast_in_dim3A_105 : vector<2048x128xi1>, vector<2048x128xf32>
    %broadcast_in_dim3A_107 = arith.constant 6.250000e-02 : f32
    %broadcast_in_dim3A_108 = vector.broadcast %broadcast_in_dim3A_107 : f32 to vector<128x128xf32>
    %dot_general3A_109 = arith.constant dense<0.000000e+00> : vector<2048x128xf32>
    %dot_general3A_110 = tpu.matmul %select_n3A_106, %broadcast_in_dim3A_108, %dot_general3A_109 {dimension_numbers = #tpu.dot_dimension_numbers<[1], [0], [0], [1], [0, 0, 1, 1], [], []>, transpose_lhs_hint = false} : vector<2048x128xf32>, vector<128x128xf32>, vector<2048x128xf32> -> vector<2048x128xf32>
    %max3A = arith.constant 1.000000e+00 : f32
    %max3A_111 = vector.broadcast %max3A : f32 to vector<2048x128xf32>
    %max3A_112 = arith.maximumf %dot_general3A_110, %max3A_111 : vector<2048x128xf32>
    %div3A_113 = arith.divf %add3A, %max3A_112 : vector<2048x128xf32>
    %get3A_114 = arith.constant 0 : index
    %get3A_115 = arith.constant 0 : index
    %get3A_116 = vector.load %arg4[%get3A_114, %get3A_115] : memref<128x128xf32, #tpu.memory_space<vmem>>, vector<128x128xf32>
    %dot_general3A_117 = arith.constant dense<0.000000e+00> : vector<2048x128xf32>
    %dot_general3A_118 = tpu.matmul %div3A_113, %get3A_116, %dot_general3A_117 {dimension_numbers = #tpu.dot_dimension_numbers<[1], [0], [0], [1], [0, 0, 1, 1], [], []>, transpose_lhs_hint = false} : vector<2048x128xf32>, vector<128x128xf32>, vector<2048x128xf32> -> vector<2048x128xf32>
    %get3A_119 = arith.constant 0 : index
    %get3A_120 = arith.constant 0 : index
    %get3A_121 = vector.load %arg3[%get3A_119, %get3A_120] : memref<2048x128xf32, #tpu.memory_space<vmem>>, vector<2048x128xf32>
    %add3A_122 = arith.addf %dot_general3A_118, %get3A_121 : vector<2048x128xf32>
    %max3A_123 = arith.constant 0.000000e+00 : f32
    %max3A_124 = vector.broadcast %max3A_123 : f32 to vector<2048x128xf32>
    %max3A_125 = arith.maximumf %add3A_122, %max3A_124 : vector<2048x128xf32>
    %swap3A = arith.constant 0 : index
    %swap3A_126 = arith.constant 0 : index
    %swap3A_127 = vector.load %arg5[%swap3A, %swap3A_126] : memref<2048x128xf32, #tpu.memory_space<vmem>>, vector<2048x128xf32>
    tpu.vector_store %arg5[%swap3A, %swap3A_126], %max3A_125 {strides = array<i32>} : memref<2048x128xf32, #tpu.memory_space<vmem>>, vector<2048x128xf32>,
    return
  }
  func.func @transform_0(%arg0: i32) -> (i32, i32, i32) {
    %c0_i32 = arith.constant 0 : i32
    %c0_i32_0 = arith.constant 0 : i32
    %c0_i32_1 = arith.constant 0 : i32
    return %c0_i32, %arg0, %c0_i32_0 : i32, i32, i32
  }
  func.func @transform_1(%arg0: i32) -> (i32, i32, i32) {
    %c0_i32 = arith.constant 0 : i32
    %c0_i32_0 = arith.constant 0 : i32
    %c0_i32_1 = arith.constant 0 : i32
    return %c0_i32, %arg0, %c0_i32_0 : i32, i32, i32
  }
  func.func @transform_2(%arg0: i32) -> (i32, i32) {
    %c0_i32 = arith.constant 0 : i32
    %c0_i32_0 = arith.constant 0 : i32
    return %arg0, %c0_i32 : i32, i32
  }
  func.func @transform_3(%arg0: i32) -> (i32, i32) {
    %c0_i32 = arith.constant 0 : i32
    %c0_i32_0 = arith.constant 0 : i32
    %c0_i32_1 = arith.constant 0 : i32
    return %c0_i32, %c0_i32_0 : i32, i32
  }
  func.func @transform_4(%arg0: i32) -> (i32, i32) {
    %c0_i32 = arith.constant 0 : i32
    %c0_i32_0 = arith.constant 0 : i32
    return %arg0, %c0_i32 : i32, i32
  }
}

</mosaic_0001>

<sc_bundles>
// kernel: kernel.5.cloned.1.call-start
scs
__scs_entry_jumppad:
0x0: {  	(pc) =	sbr.rel $0x88, $3  }
0x1: {  	(tag) =	ssettag $0x0;
	lr =	simm.s32 $0x1  }
0x2: {  	[smem:$0x3F9C] =	sst lr;
	_ =	strace $0xD0000000  }
0x3: {  	_ = 	snop  }
0x4: {  	_ = 	snop  }
0x5: {  	_ = 	snop  }
0x6: {  	_ = 	snop  }
0x7: {  	_ = 	snop  }
__scs_overlays_trampoline_lowered:
0x8: {  	[smem:$0x3FAB] =	sst s0  }
0x9: {  	[smem:$0x3FAC] =	sst s1  }
0xa: {  	[smem:$0x3FAD] =	sst s2  }
0xb: {  	[smem:$0x3FAE] =	sst s3  }
0xc: {  	[smem:$0x3FAF] =	sst s4  }
0xd: {  	[smem:$0x3FB0] =	sst s5  }
0xe: {  	[smem:$0x3FB1] =	sst s6  }
0xf: {  	[smem:$0x3FB2] =	sst s7  }
0x10: {  	[smem:$0x3FB3] =	sst s8  }
0x11: {  	[smem:$0x3FB4] =	sst s9;
	s0 =	simm.s32 @!p0 $0x0  }
0x12: {  	s1 =	sld [smem:$0x3F9A];
	s0 =	simm.s32 @p0 $0x1  }
0x13: {  	[smem:$0x3FB5] =	sst s0;
	s0 =	simm.s32 @!p1 $0x0  }
0x14: {  	s2 =	sld [smem:$0x3F99];
	s0 =	simm.s32 @p1 $0x1  }
0x15: {  	[smem:$0x3FB6] =	sst s0;
	s0 =	simm.s32 @!p2 $0x0  }
0x16: {  	s3 =	sld [smem:$0x3FDB];
	s0 =	simm.s32 @p2 $0x1  }
0x17: {  	s4 =	simm.s32 $0x1BF5;
	[smem:$0x3FB8] =	sst s0  }
0x18: {  	s0 =	sld [smem:$0x3F9B];
	_ =	swait.ge [sflag:s4], $0x0  }
0x19: {  	s7 =	sld [smem:$0x3F9C]  }
0x1a: {  	s8 =	sadd.s32 $0xFFFFE003, lr  }
0x1b: {  	s9 =	sadd.s32 $0xFFFFFEF7, lr;
	s5 =	simm.s32 $0xFFFFFFFF;
	p2 =	slt.u32 s8, $0xFFFFF086  }
0x1c: {  	p1 =	slt.u32 s9, $0xF7A;
	s5 =	simm.s32 @!p2 $0x0  }
0x1d: {  	s5 =	simm.s32 @p1 $0x1;
	p0 =	seq.s32 s7, s2  }
0x1e: {  	s7 =	smul.u32 @!p0 $0xF7A, s2;
	p2 =	seq.s32 @!p0 s5, $0x0  }
0x1f: {  	s9 =	smul.u32 $0xF7A, s1;
	s8 =	simm.s32 @!p0 $0x1BF5;
	p2 =	por !p2, p0  }
0x20: {  	[sflag:s8] =	ssyncset.s32 @!p0 $0xFFFFF086;
	s6 =	sadd.s32 @!p0 s3, s7;
	s7 =	simm.s32 @!p0 $0x108  }
0x21: {  	s3 =	sadd.s32 s3, s9;
	s6 =	sadd.s32 @!p0 $0x88, s6;
	s7 =	simm.s32 @p2 $0x1082  }
0x22: {  	[simem:s7], [sflag:s8] =	dma.local @!p0 [hbm:s6], $0xF7A  }
0x23: {  	s9 =	sor.u32 $0xD0000000, s2;
	s6 =	simm.s32 $0x108;
	_ =	swait.ge @!p0 [sflag:s8], $0x0  }
0x24: {  	s3 =	sadd.s32 $0x88, s3;
	s6 =	simm.s32 @!p1 $0x1082;
	[sflag:s4] =	ssyncset.s32 $0xFFFFF086  }
0x25: {  	[simem:s6], [sflag:s4] =	dma.local [hbm:s3], $0xF7A  }
0x26: {  	[smem:$0x3F9C] =	sst s1;
	(tag) =	ssettag s2;
	_ =	strace s9  }
0x27: {  	s1 =	sld [smem:$0x3FAC]  }
0x28: {  	s2 =	sld [smem:$0x3FAD]  }
0x29: {  	s4 =	sld [smem:$0x3FAF]  }
0x2a: {  	p0 =	seq.s32 s5, $0x0;
	s5 =	sld [smem:$0x3FB0]  }
0x2b: {  	s6 =	sld [smem:$0x3FB1]  }
0x2c: {  	s7 =	sld [smem:$0x3FB2]  }
0x2d: {  	s3 =	simm.s32 $0x108;
	s8 =	sld [smem:$0x3FB3]  }
0x2e: {  	s3 =	simm.s32 @!p0 $0x1082;
	s9 =	sld [smem:$0x3FB4]  }
0x2f: {  	lr =	sadd.s32 s0, s3;
	s0 =	sld [smem:$0x3FAB]  }
0x30: {  	s3 =	sld [smem:$0x3FAE]  }
0x31: {  	[smem:$0x3FB7] =	sst s10  }
0x32: {  	s10 =	sld [smem:$0x3FB5];
	_ =	sdelay $0x3  }
0x33: {  	p0 =	seq.s32 s10, $0x1;
	s10 =	sld [smem:$0x3FB7];
	_ =	sdelay $0x3  }
0x34: {  	[smem:$0x3FB7] =	sst s10  }
0x35: {  	s10 =	sld [smem:$0x3FB6];
	_ =	sdelay $0x3  }
0x36: {  	p1 =	seq.s32 s10, $0x1;
	s10 =	sld [smem:$0x3FB7];
	_ =	sdelay $0x3  }
0x37: {  	[smem:$0x3FB7] =	sst s10  }
0x38: {  	s10 =	sld [smem:$0x3FB8]  }
0x39: {  	_ = 	snop;
	(pc) =	sbr.ind lr, $3  }
0x3a: {  	_ = 	snop  }
0x3b: {  	_ = 	snop  }
0x3c: {  	p2 =	seq.s32 s10, $0x1;
	s10 =	sld [smem:$0x3FB7]  }
0x3d: {  	_ =	shalt  }
0x3e: {  	_ =	shalt  }
0x3f: {  	_ =	shalt  }
0x40: {  	_ =	shalt  }
0x41: {  	_ =	shalt  }
0x42: {  	_ =	shalt  }
0x43: {  	_ =	shalt  }
0x44: {  	_ =	shalt  }
0x45: {  	_ =	shalt  }
0x46: {  	_ =	shalt  }
0x47: {  	_ =	shalt  }
0x48: {  	_ =	shalt  }
0x49: {  	_ =	shalt  }
0x4a: {  	_ =	shalt  }
0x4b: {  	_ =	shalt  }
0x4c: {  	_ =	shalt  }
0x4d: {  	_ =	shalt  }
0x4e: {  	_ =	shalt  }
0x4f: {  	_ =	shalt  }
0x50: {  	_ =	shalt  }
0x51: {  	_ =	shalt  }
0x52: {  	_ =	shalt  }
0x53: {  	_ =	shalt  }
0x54: {  	_ =	shalt  }
0x55: {  	_ =	shalt  }
0x56: {  	_ =	shalt  }
0x57: {  	_ =	shalt  }
0x58: {  	_ =	shalt  }
0x59: {  	_ =	shalt  }
0x5a: {  	_ =	shalt  }
0x5b: {  	_ =	shalt  }
0x5c: {  	_ =	shalt  }
0x5d: {  	_ =	shalt  }
0x5e: {  	_ =	shalt  }
0x5f: {  	_ =	shalt  }
0x60: {  	_ =	shalt  }
0x61: {  	_ =	shalt  }
0x62: {  	_ =	shalt  }
0x63: {  	_ =	shalt  }
0x64: {  	_ =	shalt  }
0x65: {  	_ =	shalt  }
0x66: {  	_ =	shalt  }
0x67: {  	_ =	shalt  }
0x68: {  	_ =	shalt  }
0x69: {  	_ =	shalt  }
0x6a: {  	_ =	shalt  }
0x6b: {  	_ =	shalt  }
0x6c: {  	_ =	shalt  }
0x6d: {  	_ =	shalt  }
0x6e: {  	_ =	shalt  }
0x6f: {  	_ =	shalt  }
0x70: {  	_ =	shalt  }
0x71: {  	_ =	shalt  }
0x72: {  	_ =	shalt  }
0x73: {  	_ =	shalt  }
0x74: {  	_ =	shalt  }
0x75: {  	_ =	shalt  }
0x76: {  	_ =	shalt  }
0x77: {  	_ =	shalt  }
0x78: {  	_ =	shalt  }
0x79: {  	_ =	shalt  }
0x7a: {  	_ =	shalt  }
0x7b: {  	_ =	shalt  }
0x7c: {  	_ =	shalt  }
0x7d: {  	_ =	shalt  }
0x7e: {  	_ =	shalt  }
0x7f: {  	_ =	shalt  }
0x80: {  	_ =	shalt  }
0x81: {  	_ =	shalt  }
0x82: {  	_ =	shalt  }
0x83: {  	_ =	shalt  }
0x84: {  	_ =	shalt  }
0x85: {  	_ =	shalt  }
0x86: {  	_ =	shalt  }
0x87: {  	_ =	shalt  }
.Lfunc_end0:
.L_simem_size_0:
called_computation_lowered:
.L_overlay_start_0:
0x88: {  	s2 =	sld [smem:$0x3FD9]  }
0x89: {  	s3 =	sld [smem:$0x3FFE];
	_ =	sdelay $0x1  }
0x8a: {  	s1 =	srdreg.scid  }
0x8b: {  	s0 =	sand.u32 $0x1, s1  }
0x8c: {  	s17 =	sshll.u32 s0, $0xA;
	s2 =	sadd.s32 s3, s2  }
0x8d: {  	s2 =	sadd.s32 s2, s17  }
0x8e: {  	[smem:$0x3FC3] =	sst s2  }
0x8f: {  	_ = 	snop  }
0x90: {  	s2 =	sld [smem:$0x3FC9]  }
0x91: {  	s18 =	sld [smem:$0x3FD0];
	(tm) =	ssettm $0x1  }
0x92: {  	s4 =	sld [smem:$0x3FFB];
	_ =	sdelay $0x3  }
0x93: {  	_ =	strace s4  }
0x94: {  	s4 =	sld [smem:$0x3FFC];
	_ =	sdelay $0x3  }
0x95: {  	_ =	strace s4  }
0x96: {  	s4 =	sld [smem:$0x3FFD];
	_ =	sdelay $0x3  }
0x97: {  	_ =	strace s4  }
0x98: {  	_ =	strace $0x8FFFFFFF  }
0x99: {  	s19 =	sld [smem:$0x3FDB];
	_ =	sdelay $0x1  }
0x9a: {  	s5 =	simm.s32 $_scs_section_size  }
0x9b: {  	s6 =	simm.s32 $_size__tile_overlayer_lowered;
	s7 =	simm.s32 $_tile_overlayer_lowered  }
0x9c: {  	s22 =	simm.s32 $0x1BFF;
	s21 =	sshll.u32 s7, $0x1;
	s4 =	sadd.s32 s5, s19  }
0x9d: {  	s8 =	simm.s32 $0x0;
	s20 =	sshll.u32 s6, $0x1;
	s6 =	sadd.s32 s21, s4  }
0x9e: {  	[timem:s8], [sflag:s22] =	dma.local [hbm:s6], s20  }
0x9f: {  	_ =	swait.ge [sflag:s22], s20  }
0xa0: {  	s5 =	ssub.s32 $0x0, s20;
	[sflag:s22] =	ssyncset.done $0x0  }
0xa1: {  	[sflag:s22] =	ssyncadd.s32 s5;
	_ =	sdelay $0x1  }
0xa2: {  	s23 =	simm.s32 $0x1B8B  }
0xa3: {  	_ =	swait.ge [sflag:s23], $0x1  }
0xa4: {  	[sflag:s23] =	ssyncset.done $0x0  }
0xa5: {  	s25 =	simm.s32 $0x1B8E;
	s24 =	sld [smem:$0x3FFE];
	[sflag:s23] =	ssyncadd.s32 $0xFFFFFFFF  }
0xa6: {  	s26 =	simm.s32 $execute0_lowered;
	[smem:$0x3FD2] =	sst s25  }
0xa7: {  	s6 =	sshll.u32 s26, $0x1;
	_ =	strace $0x80000046;
	[dreg:$0x1] =	wrdreg $0xFFFFFFFF  }
0xa8: {  	s28 =	simm.s32 $_size_execute0_lowered;
	s4 =	sadd.s32 s4, s6;
	[dreg:$0x0] =	wrdreg $0x0  }
0xa9: {  	s6 =	sshll.u32 s28, $0x1;
	[dreg:$0x2] =	wrdreg s4  }
0xaa: {  	[dreg:$0x3] =	wrdreg s6  }
0xab: {  	[dreg:$0x4] =	wrdreg $0xC0  }
0xac: {  	_ =	task [dreg:s8], $0x5FFFF  }
0xad: {  	[dreg:$0x1] =	wrdreg $0xFFFFFFFF  }
0xae: {  	[dreg:$0x0] =	wrdreg $0x60  }
0xaf: {  	[dreg:$0x2] =	wrdreg s2  }
0xb0: {  	[dreg:$0x3] =	wrdreg s18  }
0xb1: {  	[dreg:$0x4] =	wrdreg s24  }
0xb2: {  	[dreg:$0x5] =	wrdreg $0x92800  }
0xb3: {  	[dreg:$0x6] =	wrdreg $0x1D2800  }
0xb4: {  	[dreg:$0x7] =	wrdreg $0x9  }
0xb5: {  	_ =	task.clear_ibuf [dreg:s8], $0x8FFFF;
	_ =	strace $0x90000046  }
0xb6: {  	s29 =	simm.s32 $0x9;
	_ =	strace $0x80000048  }
0xb7: {  	_ =	swait.ge [sflag:s29], $0x1  }
0xb8: {  	[sflag:s29] =	ssyncadd.s32 $0xFFFFFFFF  }
0xb9: {  	_ =	strace $0x90000048  }
0xba: {  	_ =	sfence  }
0xbb: {  	s30 =	sld [smem:$0x0];
	_ =	sdelay $0x2  }
0xbc: {  	s31 =	sshll.u32 s1, $0xD;
	s1 =	sshrl.u32 s1, $0x2  }
0xbd: {  	s3 =	sand.u32 $0x4000, s31;
	s1 =	sadd.s32 s1, s30  }
0xbe: {  	s0 =	sor.u32 s3, s0;
	s1 =	sshll.u32 s1, $0x11  }
0xbf: {  	s0 =	sor.u32 s1, s0  }
0xc0: {  	s0 =	sadd.s32 $0x8F2B, s0  }
0xc1: {  	[sflag:s0] =	ssyncadd.remote.s32 $0x1  }
0xc2: {  	_ =	sfence.sel $0xFFFF  }
0xc3: {  	[dreg:$0x0] =	wrdreg $0xFFFFFFFF;
	(pc) =	sbr.abs _section_cstart, $3  }
0xc4: {  	[dreg:$0x1] =	wrdreg $0xFFFFFFFF  }
0xc5: {  	_ =	task.clear_ibuf [dreg:s8], $0x2FFFF;
	_ =	strace $0x9FFFFFFF  }
0xc6: {  	(tm) =	ssettm $0x7FFFFFFF  }
0xc7: {  	_ =	shalt  }
tec
execute0_lowered:
.L_overlay_start_1:
0x0: {  	(tag) =	ssettag $0x1  }
0x1: {  	s0 =	rddreg [dreg:$0x0]  }
0x2: {  	s1 =	rddreg [dreg:$0x1];
	s14 =	stileid.u32  }
0x3: {  	s2 =	rddreg [dreg:$0x2];
	s9 =	smul.u32 $0x14000, s14  }
0x4: {  	s4 =	srdreg.scid;
	s10 =	smul.u32 $0x2800, s14  }
0x5: {  	s3 =	rddreg [dreg:$0x3];
	s5 =	simm.s32 $0x0;
	s26 =	smul.u32 $0x50000, s14  }
0x6: {  	s6 =	sand.u32 $0x1, s4;
	s4 =	rddreg [dreg:$0x4];
	s15 =	smul.u32 $0xA000, s14  }
0x7: {  	[smem:$0x7FF] =	sst s5;
	s11 =	sshll.u32 s14, $0x1;
	s7 =	smul.u32 $0x140000, s6  }
0x8: {  	p0 =	slt.u32 s14, $0x4;
	s8 =	smul.u32 $0x28000, s6;
	s12 =	ssub.s32 $0x2, s6  }
0x9: {  	_ =	strace $0x80000047;
	s6 =	sor.u32 s6, s11;
	s24 =	sshrl.u32 s12, $0x1  }
0xa: {  	s13 =	smul.u32 $0x9C, s6;
	s25 =	smin.u32 s6, $0x8;
	s6 =	simm.s32 $0x9D  }
0xb: {  	s17 =	sshrl.u32 s15, $0x2;
	s7 =	sadd.s32 s9, s7;
	s8 =	sadd.s32 s10, s8  }
0xc: {  	s11 =	ssub.s32 s12, s24;
	s12 =	smul.u32 $0x280, s14;
	s6 =	simm.s32 @!p0 $0x9C  }
0xd: {  	s9 =	sadd.s32 s9, s3;
	s10 =	sadd.s32 s10, s4;
	s18 =	sadd.s32 s17, s4  }
0xe: {  	s7 =	sshrl.u32 s7, $0x3;
	s8 =	sshrl.u32 s8, $0x3;
	s16 =	smax.u32 s11, $0x1  }
0xf: {  	[dreg:$0xa] =	wrdreg s18;
	s7 =	sadd.s32 s7, s2;
	s2 =	sadd.s32 s8, s2  }
0x10: {  	s8 =	sadd.s32 s25, s13;
	[dreg:$0x8] =	wrdreg s16;
	s19 =	sor.u32 $0x40, s12  }
0x11: {  	s21 =	sadd.s32 $0x80, s12;
	s24 =	sadd.s32 $0xC0, s12;
	s11 =	sadd.s32 $0x140, s12  }
0x12: {  	s17 =	sadd.s32 $0x180, s12;
	s8 =	sshll.u32 s8, $0x3;
	s7 =	sadd.s32 $0x1A00, s7  }
0x13: {  	s2 =	sadd.s32 $0x51A00, s2;
	s20 =	sshll.u32 s19, $0x7;
	s22 =	sshll.u32 s21, $0x7  }
0x14: {  	s23 =	sshll.u32 s21, $0x4;
	s25 =	sshll.u32 s24, $0x7;
	s15 =	sshll.u32 s11, $0x7  }
0x15: {  	s16 =	sshll.u32 s11, $0x4;
	s18 =	sshll.u32 s17, $0x7;
	[dreg:$0x6] =	wrdreg s7  }
0x16: {  	s13 =	sadd.s32 s1, s8;
	s8 =	simm.s32 $0x9E;
	[dreg:$0x7] =	wrdreg s2  }
0x17: {  	s1 =	sshrl.u32 s26, $0x2;
	s2 =	sadd.s32 s20, s3;
	s20 =	sadd.s32 $0x1C0, s12  }
0x18: {  	s8 =	simm.s32 @!p0 $0x9D;
	s1 =	sadd.s32 s1, s3;
	[dreg:$0xb] =	wrdreg s2  }
0x19: {  	s2 =	sshll.u32 s24, $0x4;
	s21 =	sshll.u32 s20, $0x7;
	p0 =	sgt.u32 s14, $0x3  }
0x1a: {  	s11 =	sadd.s32 $0x4E0, s13;
	s14 =	simm.s32 $0x8E80;
	[dreg:$0x9] =	wrdreg s1  }
0x1b: {  	s1 =	sshll.u32 s19, $0x4;
	s26 =	sadd.s32 s2, s4;
	s2 =	sadd.s32 $0x100, s12  }
0x1c: {  	s1 =	sadd.s32 s1, s4;
	[dreg:$0x10] =	wrdreg s26;
	s7 =	sshll.u32 s2, $0x7  }
0x1d: {  	[dreg:$0xc] =	wrdreg s1;
	s1 =	sadd.s32 s22, s3;
	s22 =	sadd.s32 $0x200, s12  }
0x1e: {  	[dreg:$0xd] =	wrdreg s1;
	s1 =	sadd.s32 s23, s4;
	s23 =	sshll.u32 s22, $0x7  }
0x1f: {  	s24 =	sshll.u32 s22, $0x4;
	[dreg:$0xe] =	wrdreg s1;
	s1 =	sadd.s32 s25, s3  }
0x20: {  	s29 =	sadd.s32 s23, s3;
	s25 =	sadd.s32 $0x240, s12;
	s30 =	sadd.s32 s24, s4  }
0x21: {  	[dreg:$0xf] =	wrdreg s1;
	s1 =	sshll.u32 s2, $0x4;
	s2 =	sadd.s32 s7, s3  }
0x22: {  	s12 =	sadd.s32 $0xA120, s13;
	s26 =	sshll.u32 s25, $0x7;
	[dreg:$0x11] =	wrdreg s2  }
0x23: {  	s1 =	sadd.s32 s1, s4;
	s2 =	sshll.u32 s17, $0x4;
	s31 =	sadd.s32 s26, s3  }
0x24: {  	s26 =	smov.u32 s13;
	[dreg:$0x12] =	wrdreg s1;
	s1 =	sadd.s32 s15, s3  }
0x25: {  	s17 =	simm.s32 $0x40;
	s19 =	sadd.s32 s2, s4;
	[dreg:$0x13] =	wrdreg s1  }
0x26: {  	s2 =	sadd.s32 s21, s3;
	s15 =	simm.s32 $0x4;
	[dreg:$0x16] =	wrdreg s19  }
0x27: {  	s1 =	sadd.s32 s16, s4;
	[dreg:$0x17] =	wrdreg s2;
	s2 =	sshll.u32 s25, $0x4  }
0x28: {  	s16 =	simm.s32 $0x3;
	[dreg:$0x14] =	wrdreg s1;
	s1 =	sadd.s32 s18, s3  }
0x29: {  	s2 =	sadd.s32 s2, s4;
	[dreg:$0x15] =	wrdreg s1;
	s1 =	sshll.u32 s20, $0x4  }
0x2a: {  	s18 =	simm.s32 $0x0;
	s28 =	sadd.s32 s1, s4;
	s1 =	sshrl.u32 s9, $0x3  }
0x2b: {  	v0 =	vimm.f32 $0.0e+00;
	v1 =	vimm.f32 $1.000000000e+00;
	s9 =	sshrl.u32 s10, $0x3;
	s10 =	sadd.s32 $0x9C40, s13;
	s13 =	simm.s32 $0x4E80  }
.LBB2_1:
0x2c: {  	s7 =	simm.s32 $0x4EC0  }
0x2d: {  	[tilespmem:s7+$0xFFFFFFD0] =	vst v0  }
0x2e: {  	[tilespmem:s7+$0xFFFFFFE0] =	vst v0  }
0x2f: {  	[tilespmem:s7+$0xFFFFFFF0] =	vst v0  }
0x30: {  	[tilespmem:s7+$0x0] =	vst v0  }
0x31: {  	[tilespmem:s7+$0x10] =	vst v0  }
0x32: {  	[tilespmem:s7+$0x20] =	vst v0  }
0x33: {  	[tilespmem:s7+$0x30] =	vst v0  }
0x34: {  	s20 =	simm.s32 $0x0;
	s19 =	simm.s32 $0x40;
	[tilespmem:s7+$0xFFFFFFC0] =	vst v0  }
.LBB2_2:
0x35: {  	p1 =	sne.s32 s19, $0xFC0;
	[tilespmem:s20+$0x8E80] =	vst v0;
	s7 =	sadd.s32 $0x80, s7  }
0x36: {  	[tilespmem:s7+$0xFFFFFFD0] =	vst v0  }
0x37: {  	[tilespmem:s7+$0xFFFFFFE0] =	vst v0  }
0x38: {  	[tilespmem:s7+$0xFFFFFFF0] =	vst v0  }
.Ltmp0:
0x39: {  	[tilespmem:s7+$0x0] =	vst v0;
	(pc) =	sbr.rel @p1 .LBB2_2-.Ltmp0, $4  }
0x3a: {  	[tilespmem:s7+$0x10] =	vst v0  }
0x3b: {  	[tilespmem:s7+$0x20] =	vst v0  }
0x3c: {  	[tilespmem:s7+$0x30] =	vst v0  }
0x3d: {  	s20 =	sshra.s32 s19, $0x2;
	s19 =	sadd.s32 $0x40, s19;
	[tilespmem:s7+$0xFFFFFFC0] =	vst v0  }
0x3e: {  	[tilespmem:s20+$0x8E80] =	vst v0;
	s7 =	rddreg [dreg:$0x9]  }
0x3f: {  	[spmem:s7] =	stream.linear.scatter [tilespmem:s13], [sflag:$0x3], $0x2000, $0x38;
	[tilespmem:$0x1FA80] =	vst v63  }
0x40: {  	s25 =	rddreg [dreg:$0xa]  }
0x41: {  	[spmem:s25] =	stream.linear.scatter [tilespmem:s14], [sflag:$0x3], $0x400, $0x38;
	[tilespmem:$0x1FA80] =	vst v63  }
0x42: {  	s19 =	rddreg [dreg:$0xb]  }
0x43: {  	[spmem:s19] =	stream.linear.scatter [tilespmem:s13], [sflag:$0x3], $0x2000, $0x38;
	[tilespmem:$0x1FA80] =	vst v63  }
0x44: {  	s20 =	rddreg [dreg:$0xc]  }
0x45: {  	[spmem:s20] =	stream.linear.scatter [tilespmem:s14], [sflag:$0x3], $0x400, $0x38;
	[tilespmem:$0x1FA80] =	vst v63  }
0x46: {  	s21 =	rddreg [dreg:$0xd]  }
0x47: {  	[spmem:s21] =	stream.linear.scatter [tilespmem:s13], [sflag:$0x3], $0x2000, $0x38;
	[tilespmem:$0x1FA80] =	vst v63  }
0x48: {  	s22 =	rddreg [dreg:$0xe]  }
0x49: {  	[spmem:s22] =	stream.linear.scatter [tilespmem:s14], [sflag:$0x3], $0x400, $0x38;
	[tilespmem:$0x1FA80] =	vst v63  }
0x4a: {  	s23 =	rddreg [dreg:$0xf]  }
0x4b: {  	[spmem:s23] =	stream.linear.scatter [tilespmem:s13], [sflag:$0x3], $0x2000, $0x38;
	[tilespmem:$0x1FA80] =	vst v63  }
0x4c: {  	s24 =	rddreg [dreg:$0x10]  }
0x4d: {  	[spmem:s24] =	stream.linear.scatter [tilespmem:s14], [sflag:$0x3], $0x400, $0x38;
	[tilespmem:$0x1FA80] =	vst v63  }
0x4e: {  	s25 =	rddreg [dreg:$0x11]  }
0x4f: {  	[spmem:s25] =	stream.linear.scatter [tilespmem:s13], [sflag:$0x3], $0x2000, $0x38;
	[tilespmem:$0x1FA80] =	vst v63  }
0x50: {  	s19 =	rddreg [dreg:$0x12]  }
0x51: {  	[spmem:s19] =	stream.linear.scatter [tilespmem:s14], [sflag:$0x3], $0x400, $0x38;
	[tilespmem:$0x1FA80] =	vst v63  }
0x52: {  	s20 =	rddreg [dreg:$0x13]  }
0x53: {  	[spmem:s20] =	stream.linear.scatter [tilespmem:s13], [sflag:$0x3], $0x2000, $0x38;
	[tilespmem:$0x1FA80] =	vst v63  }
0x54: {  	s21 =	rddreg [dreg:$0x14]  }
0x55: {  	[spmem:s21] =	stream.linear.scatter [tilespmem:s14], [sflag:$0x3], $0x400, $0x38;
	[tilespmem:$0x1FA80] =	vst v63  }
0x56: {  	s22 =	rddreg [dreg:$0x15]  }
0x57: {  	[spmem:s22] =	stream.linear.scatter [tilespmem:s13], [sflag:$0x3], $0x2000, $0x38;
	[tilespmem:$0x1FA80] =	vst v63  }
0x58: {  	s23 =	rddreg [dreg:$0x16]  }
0x59: {  	[spmem:s23] =	stream.linear.scatter [tilespmem:s14], [sflag:$0x3], $0x400, $0x38;
	[tilespmem:$0x1FA80] =	vst v63  }
0x5a: {  	s24 =	rddreg [dreg:$0x17]  }
0x5b: {  	[spmem:s24] =	stream.linear.scatter [tilespmem:s13], [sflag:$0x3], $0x2000, $0x38;
	[tilespmem:$0x1FA80] =	vst v63  }
0x5c: {  	_ = 	snop  }
0x5d: {  	[spmem:s28] =	stream.linear.scatter [tilespmem:s14], [sflag:$0x3], $0x400, $0x38;
	[tilespmem:$0x1FA80] =	vst v63  }
0x5e: {  	_ = 	snop  }
0x5f: {  	[spmem:s29] =	stream.linear.scatter [tilespmem:s13], [sflag:$0x3], $0x2000, $0x38;
	[tilespmem:$0x1FA80] =	vst v63  }
0x60: {  	_ = 	snop  }
0x61: {  	[spmem:s30] =	stream.linear.scatter [tilespmem:s14], [sflag:$0x3], $0x400, $0x38;
	[tilespmem:$0x1FA80] =	vst v63  }
0x62: {  	_ = 	snop  }
0x63: {  	[spmem:s31] =	stream.linear.scatter [tilespmem:s13], [sflag:$0x3], $0x2000, $0x38;
	[tilespmem:$0x1FA80] =	vst v63  }
0x64: {  	_ = 	snop  }
0x65: {  	[spmem:s2] =	stream.linear.scatter [tilespmem:s14], [sflag:$0x3], $0x400, $0x38;
	[tilespmem:$0x1FA80] =	vst v63  }
0x66: {  	_ = 	snop  }
0x67: {  	[tilespmem:s5], [sflag:$0x4] =	stream.linear.gather [hbm4b:s26+s5], $0x2700, $0x38;
	[tilespmem:$0x1FA80] =	vst v63  }
0x68: {  	_ =	swait.ge [sflag:s15], $0x2700  }
0x69: {  	[sflag:s15] =	ssyncset.done $0x0  }
0x6a: {  	s25 =	simm.s32 $0x2740;
	[sflag:s15] =	ssyncadd.s32 $0xFFFFD900  }
0x6b: {  	[tilespmem:s25], [sflag:$0x4] =	stream.linear.gather [hbm4b:s10+s5], $0x2700, $0x38;
	[tilespmem:$0x1FA80] =	vst v63  }
0x6c: {  	_ =	swait.ge [sflag:s15], $0x2700  }
0x6d: {  	[sflag:s15] =	ssyncset.done $0x0  }
0x6e: {  	s7 =	simm.s32 @!p0 $0x0;
	s19 =	simm.s32 @!p0 $0x2700;
	[sflag:s15] =	ssyncadd.s32 $0xFFFFD900  }
0x6f: {  	[tilespmem:s19], [sflag:$0x4] =	stream.linear.gather @!p0 [hbm4b:s11+s7], $0x40, $0x38;
	[tilespmem:$0x1FA80] =	vst v63  }
0x70: {  	s19 =	simm.s32 @!p0 $0x4  }
0x71: {  	_ =	swait.ge @!p0 [sflag:s19], $0x40  }
0x72: {  	[sflag:s19] =	ssyncset.done @!p0 $0x0  }
0x73: {  	s20 =	simm.s32 @!p0 $0x4E40;
	[sflag:s19] =	ssyncadd.s32 @!p0 $0xFFFFFFC0  }
0x74: {  	[tilespmem:s20], [sflag:$0x4] =	stream.linear.gather @!p0 [hbm4b:s12+s7], $0x40, $0x38;
	[tilespmem:$0x1FA80] =	vst v63  }
0x75: {  	_ =	swait.ge @!p0 [sflag:s19], $0x40  }
0x76: {  	[sflag:s19] =	ssyncset.done @!p0 $0x0  }
0x77: {  	[sflag:s19] =	ssyncadd.s32 @!p0 $0xFFFFFFC0  }
0x78: {  	_ =	swait.ge [sflag:s16], $0x2000  }
0x79: {  	[sflag:s16] =	ssyncset.done $0x0  }
0x7a: {  	[sflag:s16] =	ssyncadd.s32 $0xFFFFE000  }
0x7b: {  	_ =	swait.ge [sflag:s16], $0x400  }
0x7c: {  	[sflag:s16] =	ssyncset.done $0x0  }
0x7d: {  	[sflag:s16] =	ssyncadd.s32 $0xFFFFFC00  }
0x7e: {  	_ =	swait.ge [sflag:s16], $0x2000  }
0x7f: {  	[sflag:s16] =	ssyncset.done $0x0  }
0x80: {  	[sflag:s16] =	ssyncadd.s32 $0xFFFFE000  }
0x81: {  	_ =	swait.ge [sflag:s16], $0x400  }
0x82: {  	[sflag:s16] =	ssyncset.done $0x0  }
0x83: {  	[sflag:s16] =	ssyncadd.s32 $0xFFFFFC00  }
0x84: {  	_ =	swait.ge [sflag:s16], $0x2000  }
0x85: {  	[sflag:s16] =	ssyncset.done $0x0  }
0x86: {  	[sflag:s16] =	ssyncadd.s32 $0xFFFFE000  }
0x87: {  	_ =	swait.ge [sflag:s16], $0x400  }
0x88: {  	[sflag:s16] =	ssyncset.done $0x0  }
0x89: {  	[sflag:s16] =	ssyncadd.s32 $0xFFFFFC00  }
0x8a: {  	_ =	swait.ge [sflag:s16], $0x2000  }
0x8b: {  	[sflag:s16] =	ssyncset.done $0x0  }
0x8c: {  	[sflag:s16] =	ssyncadd.s32 $0xFFFFE000  }
0x8d: {  	_ =	swait.ge [sflag:s16], $0x400  }
0x8e: {  	[sflag:s16] =	ssyncset.done $0x0  }
0x8f: {  	[sflag:s16] =	ssyncadd.s32 $0xFFFFFC00  }
0x90: {  	_ =	swait.ge [sflag:s16], $0x2000  }
0x91: {  	[sflag:s16] =	ssyncset.done $0x0  }
0x92: {  	[sflag:s16] =	ssyncadd.s32 $0xFFFFE000  }
0x93: {  	_ =	swait.ge [sflag:s16], $0x400  }
0x94: {  	[sflag:s16] =	ssyncset.done $0x0  }
0x95: {  	[sflag:s16] =	ssyncadd.s32 $0xFFFFFC00  }
0x96: {  	_ =	swait.ge [sflag:s16], $0x2000  }
0x97: {  	[sflag:s16] =	ssyncset.done $0x0  }
0x98: {  	[sflag:s16] =	ssyncadd.s32 $0xFFFFE000  }
0x99: {  	_ =	swait.ge [sflag:s16], $0x400  }
0x9a: {  	[sflag:s16] =	ssyncset.done $0x0  }
0x9b: {  	[sflag:s16] =	ssyncadd.s32 $0xFFFFFC00  }
0x9c: {  	_ =	swait.ge [sflag:s16], $0x2000  }
0x9d: {  	[sflag:s16] =	ssyncset.done $0x0  }
0x9e: {  	[sflag:s16] =	ssyncadd.s32 $0xFFFFE000  }
0x9f: {  	_ =	swait.ge [sflag:s16], $0x400  }
0xa0: {  	[sflag:s16] =	ssyncset.done $0x0  }
0xa1: {  	[sflag:s16] =	ssyncadd.s32 $0xFFFFFC00  }
0xa2: {  	_ =	swait.ge [sflag:s16], $0x2000  }
0xa3: {  	[sflag:s16] =	ssyncset.done $0x0  }
0xa4: {  	[sflag:s16] =	ssyncadd.s32 $0xFFFFE000  }
0xa5: {  	_ =	swait.ge [sflag:s16], $0x400  }
0xa6: {  	[sflag:s16] =	ssyncset.done $0x0  }
0xa7: {  	[sflag:s16] =	ssyncadd.s32 $0xFFFFFC00  }
0xa8: {  	_ =	swait.ge [sflag:s16], $0x2000  }
0xa9: {  	[sflag:s16] =	ssyncset.done $0x0  }
0xaa: {  	[sflag:s16] =	ssyncadd.s32 $0xFFFFE000  }
0xab: {  	_ =	swait.ge [sflag:s16], $0x400  }
0xac: {  	[sflag:s16] =	ssyncset.done $0x0  }
0xad: {  	[sflag:s16] =	ssyncadd.s32 $0xFFFFFC00  }
0xae: {  	_ =	swait.ge [sflag:s16], $0x2000  }
0xaf: {  	[sflag:s16] =	ssyncset.done $0x0  }
0xb0: {  	[sflag:s16] =	ssyncadd.s32 $0xFFFFE000  }
0xb1: {  	_ =	swait.ge [sflag:s16], $0x400  }
0xb2: {  	[sflag:s16] =	ssyncset.done $0x0  }
0xb3: {  	s7 =	simm.s32 $0x40;
	s19 =	simm.s32 $0x0;
	[sflag:s16] =	ssyncadd.s32 $0xFFFFFC00  }
.LBB2_4:
0xb4: {  	p1 =	sne.s32 s7, $0xFC0;
	[tilespmem:s19+$0x8E80] =	vst v1;
	s19 =	smov.u32 s7;
	s7 =	sadd.s32 $0x40, s7  }
.Ltmp1:
0xb5: {  	(pc) =	sbr.rel @p1 .LBB2_4-.Ltmp1, $2  }
0xb6: {  	_ =	sdelay $0x2  }
0xb7: {  	s19 =	sshra.s32 s19, $0x2  }
0xb8: {  	p3 =	sne.s32 s8, $0x2  }
.Ltmp2:
0xb9: {  	_ = 	snop;
	(pc) =	sbr.rel @!p3 .LBB2_6-.Ltmp2, $4  }
0xba: {  	[tilespmem:s19+$0x8E80] =	vst v1;
	s19 =	simm.s32 $0x40  }
0xbb: {  	s21 =	simm.s32 $0x1;
	s22 =	simm.s32 $0x2740;
	s7 =	simm.s32 $0x2  }
0xbc: {  	p2 =	sle.u32 s6, $0x1;
	p1 =	por $0x0, $0x0;
	[bflag:$0x0] =	sbarrier.arrive $0xFFFF  }
0xbd: {  	[tilespmem:s13], [sflag:$0x1] =	stream.indirect.gather [hbm4b:s0+s19], $0x80, s5, s19, $0xb8;
	[tilespmem:$0x1FA80] =	vst v63  }
0xbe: {  	s20 =	sand.u32 @!p2 $0x1, s21  }
0xbf: {  	s25 =	simm.s32 $0x0;
	s24 =	simm.s32 @!p2 $0x40;
	s23 =	sshll.u32 @!p2 s20, $0xD  }
0xc0: {  	s20 =	sadd.s32 @!p2 $0x1, s20;
	s21 =	sand.u32 $0x1, s25;
	s23 =	sor.u32 @!p2 $0x4E80, s23  }
0xc1: {  	[tilespmem:s23], [sflag:s20] =	stream.indirect.gather @!p2 [hbm4b:s0+s24], $0x80, s19, s24, $0xb8;
	[tilespmem:$0x1FA80] =	vst v63  }
0xc2: {  	p3 =	sne.s32 s8, $0x3;
	s24 =	sadd.s32 $0x1, s21  }
.Ltmp3:
0xc3: {  	p1 =	por $0x1, $0x1;
	_ =	swait.ge [sflag:s24], $0x2000;
	(pc) =	sbr.rel @!p3 .LBB2_8-.Ltmp3, $4  }
0xc4: {  	s25 =	sshll.u32 s21, $0xD;
	s21 =	simm.s32 $0x3;
	[sflag:s24] =	ssyncset.done $0x0  }
0xc5: {  	s20 =	sor.u32 $0x4E80, s25;
	p2 =	sle.u32 s6, $0x2;
	[sflag:s24] =	ssyncadd.s32 $0xFFFFE000  }
0xc6: {  	[spmem:s3] =	stream.indirect.scatter.add.f32 [tilespmem:s20], [sflag:$0x4], $0x80, s22, s17, $0xb8;
	[tilespmem:$0x1FA80] =	vst v63  }
0xc7: {  	s19 =	simm.s32 $0x80;
	s20 =	simm.s32 $0x2780;
	_ =	swait.ge [sflag:s15], $0x2000  }
.LBB2_9:
0xc8: {  	s23 =	sand.u32 @!p2 $0x1, s7;
	s24 =	sadd.s32 $0xFFFFFFFF, s7  }
0xc9: {  	[sflag:s15] =	ssyncset.done $0x0;
	s7 =	smov.u32 s21;
	s21 =	sadd.s32 $0x1, s21  }
0xca: {  	s25 =	sshll.u32 @!p2 s23, $0xD;
	s23 =	sadd.s32 @!p2 $0x1, s23;
	[sflag:s15] =	ssyncadd.s32 $0xFFFFE000  }
0xcb: {  	[spmem:s4] =	stream.indirect.scatter.add.f32 [tilespmem:s14], [sflag:$0x3], $0x10, s22, s17, $0xb8;
	[tilespmem:$0x1FA80] =	vst v63  }
0xcc: {  	s24 =	sand.u32 $0x1, s24;
	s22 =	sor.u32 @!p2 $0x4E80, s25;
	s25 =	simm.s32 @!p2 $0x40  }
0xcd: {  	[tilespmem:s22], [sflag:s23] =	stream.indirect.gather @!p2 [hbm4b:s0+s25], $0x80, s19, s25, $0xb8;
	[tilespmem:$0x1FA80] =	vst v63  }
0xce: {  	p3 =	sne.s32 s8, s21;
	s23 =	sadd.s32 $0x1, s24;
	s24 =	sshll.u32 s24, $0xD  }
.Ltmp4:
0xcf: {  	_ =	swait.ge [sflag:s23], $0x2000;
	(pc) =	sbr.rel @p3 .LBB2_9-.Ltmp4, $4  }
0xd0: {  	s22 =	smov.u32 s20;
	[sflag:s23] =	ssyncset.done $0x0  }
0xd1: {  	s20 =	sadd.s32 $0x40, s20;
	s24 =	sor.u32 $0x4E80, s24;
	[sflag:s23] =	ssyncadd.s32 $0xFFFFE000  }
0xd2: {  	[spmem:s3] =	stream.indirect.scatter.add.f32 [tilespmem:s24], [sflag:$0x4], $0x80, s22, s17, $0xb8;
	[tilespmem:$0x1FA80] =	vst v63  }
0xd3: {  	p2 =	sge.u32 s7, s6;
	s19 =	sadd.s32 $0x40, s19;
	_ =	swait.ge [sflag:s15], $0x2000  }
0xd4: {  	s23 =	smov.u32 s22;
	s21 =	smov.u32 s7;
	s22 =	smov.u32 s20  }
.LBB2_11:
0xd5: {  	s7 =	sand.u32 @!p2 $0x1, s21  }
0xd6: {  	s20 =	sadd.s32 $0xFFFFFFFF, s21;
	[sflag:s15] =	ssyncset.done @p1 $0x0;
	s21 =	sshll.u32 @!p2 s7, $0xD  }
0xd7: {  	s7 =	sadd.s32 @!p2 $0x1, s7;
	[sflag:s15] =	ssyncadd.s32 @p1 $0xFFFFE000;
	s20 =	sand.u32 $0x1, s20  }
0xd8: {  	[spmem:s4] =	stream.indirect.scatter.add.f32 @p1 [tilespmem:s14], [sflag:$0x3], $0x10, s23, s17, $0xb8;
	[tilespmem:$0x1FA80] =	vst v63  }
0xd9: {  	s21 =	sor.u32 @!p2 $0x4E80, s21;
	s23 =	simm.s32 @!p2 $0x40;
	s24 =	sadd.s32 $0x1, s20  }
0xda: {  	[tilespmem:s21], [sflag:s7] =	stream.indirect.gather @!p2 [hbm4b:s0+s23], $0x80, s19, s23, $0xb8;
	[tilespmem:$0x1FA80] =	vst v63  }
0xdb: {  	_ =	swait.ge [sflag:s24], $0x2000  }
0xdc: {  	s25 =	sshll.u32 s20, $0xD;
	[sflag:s24] =	ssyncset.done $0x0  }
0xdd: {  	s19 =	sor.u32 $0x4E80, s25;
	[sflag:s24] =	ssyncadd.s32 $0xFFFFE000  }
0xde: {  	[spmem:s3] =	stream.indirect.scatter.add.f32 [tilespmem:s19], [sflag:$0x4], $0x80, s22, s17, $0xb8;
	[tilespmem:$0x1FA80] =	vst v63  }
0xdf: {  	p1 =	sne.s32 s6, $0x1;
	_ =	swait.ge [sflag:s15], $0x2000  }
.Ltmp5:
0xe0: {  	[sflag:s15] =	ssyncset.done $0x0;
	(pc) =	sbr.rel @!p1 .LBB2_13-.Ltmp5, $4  }
0xe1: {  	[sflag:s15] =	ssyncadd.s32 $0xFFFFE000  }
0xe2: {  	[spmem:s4] =	stream.indirect.scatter.add.f32 [tilespmem:s14], [sflag:$0x3], $0x10, s22, s17, $0xb8;
	[tilespmem:$0x1FA80] =	vst v63  }
0xe3: {  	_ =	swait.ge [sflag:s16], $0x400  }
0xe4: {  	s7 =	sadd.s32 $0xFFFFFFFF, s6;
	[sflag:s16] =	ssyncset.done $0x0  }
.LBB2_12:
0xe5: {  	p1 =	sne.s32 s7, $0x1;
	s7 =	sadd.s32 $0xFFFFFFFF, s7;
	[sflag:s16] =	ssyncadd.s32 $0xFFFFFC00  }
.Ltmp6:
0xe6: {  	(pc) =	sbr.rel @p1 .LBB2_12-.Ltmp6, $3  }
0xe7: {  	_ =	sdelay $0x1  }
0xe8: {  	_ =	swait.ge [sflag:s16], $0x400  }
0xe9: {  	[sflag:s16] =	ssyncset.done $0x0  }
.LBB2_13:
0xea: {  	[sflag:s16] =	ssyncadd.s32 $0xFFFFFC00;
	s7 =	stileid.u32  }
0xeb: {  	s7 =	sshll.u32 s7, $0x6;
	[bflag:$0x0] =	sbarrier.arrive $0xFFFF  }
0xec: {  	s7 =	sor.u32 $0x1C04, s7;
	s19 =	rddreg [dreg:$0x6]  }
0xed: {  	[hbm:s19], [sflag:s7] =	dma.local [spmem:s1], $0x2800  }
0xee: {  	_ =	swait.ge [sflag:s15], $0x2800  }
0xef: {  	[sflag:s15] =	ssyncset.done $0x0  }
0xf0: {  	s24 =	rddreg [dreg:$0x7];
	[sflag:s15] =	ssyncadd.s32 $0xFFFFD800  }
0xf1: {  	[hbm:s24], [sflag:s7] =	dma.local [spmem:s9], $0x500  }
0xf2: {  	_ =	swait.ge [sflag:s15], $0x500  }
0xf3: {  	s18 =	sadd.s32 $0x1, s18;
	s25 =	rddreg [dreg:$0x8]  }
0xf4: {  	p1 =	sne.s32 s18, s25  }
.Ltmp7:
0xf5: {  	_ = 	snop;
	(pc) =	sbr.rel @p1 .LBB2_1-.Ltmp7, $4  }
.Ltmp8:
0xf6: {  	_ = 	snop;
	(pc) =	sbr.rel @!p1 .LBB2_14-.Ltmp8, $4  }
0xf7: {  	_ = 	snop  }
0xf8: {  	[sflag:s15] =	ssyncset.done $0x0  }
0xf9: {  	[sflag:s15] =	ssyncadd.s32 $0xFFFFFB00  }
0xfa: {  	_ = 	snop  }
.LBB2_6:
.Ltmp9:
0xfb: {  	(pc) =	sbr.rel .LBB2_11-.Ltmp9, $2  }
0xfc: {  	_ =	sdelay $0x2  }
0xfd: {  	_ = 	snop  }
.LBB2_8:
.Ltmp10:
0xfe: {  	(pc) =	sbr.rel .LBB2_11-.Ltmp10, $2  }
0xff: {  	_ =	sdelay $0x2  }
0x100: {  	s21 =	simm.s32 $0x2;
	s23 =	simm.s32 $0x2740;
	s22 =	simm.s32 $0x2780  }
.LBB2_14:
0x101: {  	_ =	sfence.sel $0x180000  }
0x102: {  	[bflag:$0x0] =	sbarrier.arrive $0xFFFF  }
0x103: {  	_ =	strace $0x90000047  }
0x104: {  	s0 =	stileid.u32;
	[bflag:$0x2] =	sbarrier.arrive $0xFFFF  }
0x105: {  	p0 =	sne.s32 s0, $0x0;
	s0 =	rddreg [dreg:$0x5]  }
0x106: {  	s0 =	sadd.s32 @!p0 $0x100000, s0  }
0x107: {  	[sflag:s0] =	ssyncadd.tile.s32 @!p0 $0x1;
	_ =	shalt  }
.Lfunc_end2:
_tile_overlayer_lowered:
.L_overlay_start_2:
0x108: {  	(tag) =	ssettag $0x2  }
0x109: {  	s0 =	rddreg [dreg:$0x0];
	s2 =	stileid.u32  }
0x10a: {  	s1 =	rddreg [dreg:$0x1];
	p0 =	sne.s32 s2, $0x0  }
0x10b: {  	s3 =	rddreg [dreg:$0x2];
	[bflag:$0x3] =	sbarrier.arrive $0xFFFF;
	s2 =	simm.s32 @!p0 $0x1C04  }
0x10c: {  	[timem:s3], [sflag:s2] =	dma.local @!p0 [hbm:s0], s1  }
0x10d: {  	s0 =	simm.s32 @!p0 $0x4  }
0x10e: {  	_ =	swait.ge @!p0 [sflag:s0], s1  }
0x10f: {  	s1 =	ssub.s32 @!p0 $0x0, s1;
	[sflag:s0] =	ssyncset.done @!p0 $0x0  }
0x110: {  	[sflag:s0] =	ssyncadd.s32 @!p0 s1  }
0x111: {  	[bflag:$0x3] =	sbarrier.arrive $0xFFFF  }
0x112: {  	_ =	shalt  }

</sc_bundles>
